<compile_context>
chip_gen: v7x
topology: tpu7x:2x2x1
jax: 0.10.2.dev20260603
libtpu: 0.0.44.dev20260713+nightly
codegen_flags: <defaults>
</compile_context>

<pallas_src>
import functools

import jax
import jax.numpy as jnp
from jax import lax
from jax.experimental import pallas as pl
from jax.experimental.pallas import tpu as pltpu
from jax.experimental.pallas import tpu_sc as plsc

_VOCAB = 1000000
_DIM = 64
_SEQ = 200
_BATCH = 4096

_NC, _NS = 2, 16
_NW = _NC * _NS
_COLS = _BATCH // _NW
_G = 5
_NCHUNK = _SEQ // _G
_NPAIR = _NCHUNK // 2

_mesh = plsc.VectorSubcoreMesh(core_axis_name="c", subcore_axis_name="s")


@functools.partial(
    pl.kernel,
    mesh=_mesh,
    out_type=jax.ShapeDtypeStruct((_SEQ, _BATCH, _DIM), jnp.float32),
    scratch_types=[
        pltpu.VMEM((_SEQ, _COLS), jnp.int32),
        pltpu.VMEM((_G, _COLS, _DIM), jnp.float32),
        pltpu.VMEM((_G, _COLS, _DIM), jnp.float32),
        pltpu.SemaphoreType.DMA,
        pltpu.SemaphoreType.DMA,
        pltpu.SemaphoreType.DMA,
        pltpu.SemaphoreType.DMA,
    ],
    compiler_params=pltpu.CompilerParams(use_tc_tiling_on_sc=False),
)
def _emb_lookup(idx_hbm, table_hbm, out_hbm, idx_v, rows0, rows1,
                gsem0, gsem1, osem0, osem1):
    wid = lax.axis_index("s") * _NC + lax.axis_index("c")
    col = pl.multiple_of(wid * _COLS, _COLS)
    rows = (rows0, rows1)
    gsem = (gsem0, gsem1)
    osem = (osem0, osem1)

    pltpu.sync_copy(idx_hbm.at[pl.ds(0, _SEQ), pl.ds(col, _COLS)], idx_v)

    def fire(c, b):
        for g in range(_G):
            pltpu.async_copy(
                table_hbm.at[idx_v.at[c * _G + g]],
                rows[b].at[g],
                gsem[b],
            )

    def drain_gather(b):
        pltpu.make_async_copy(
            out_hbm.at[pl.ds(0, _G), pl.ds(0, _COLS)], rows[b], gsem[b]
        ).wait()

    def out_start(c, b):
        pltpu.async_copy(
            rows[b],
            out_hbm.at[pl.ds(c * _G, _G), pl.ds(col, _COLS)],
            osem[b],
        )

    def drain_out(b):
        pltpu.make_async_copy(
            rows[b], out_hbm.at[pl.ds(0, _G), pl.ds(0, _COLS)], osem[b]
        ).wait()

    fire(0, 0)
    drain_gather(0)
    out_start(0, 0)
    fire(1, 1)
    drain_gather(1)
    out_start(1, 1)
    drain_out(0)
    fire(2, 0)

    def body(t, carry):
        c0 = 2 * t
        drain_gather(0)
        out_start(c0, 0)
        drain_out(1)
        fire(c0 + 1, 1)
        drain_gather(1)
        out_start(c0 + 1, 1)
        drain_out(0)
        fire(c0 + 2, 0)
        return carry

    lax.fori_loop(1, _NPAIR - 1, body, 0)

    drain_gather(0)
    out_start(_NCHUNK - 2, 0)
    drain_out(1)
    fire(_NCHUNK - 1, 1)
    drain_gather(1)
    out_start(_NCHUNK - 1, 1)
    drain_out(0)
    drain_out(1)


def kernel(src_input, word_lut):
    idx = src_input.reshape(_SEQ, _BATCH)
    return _emb_lookup(idx, word_lut)

# --- scband reference (transcript-rebuilt; emitter-appended) ---
"""Pipeline reference for scband-embeddings-13907104105163 (READ-ONLY COPY).

The authoritative reference and input builder live on the scoring server;
editing this copy changes nothing except your own understanding.
"""

import jax, jax.numpy as jnp
import numpy as np

VOCAB = 1000000
DIM = 64
SEQ = 200
BATCH = 4096
PAD = 0


def setup_inputs(seed: int = 0) -> dict:
    key = jax.random.key(seed)
    k1, k2 = jax.random.split(key)
    src_input = jax.random.randint(k1, (SEQ, BATCH, 1), 0, VOCAB, dtype=jnp.int32)
    word_lut = jax.random.normal(k2, (VOCAB, DIM), dtype=jnp.float32)
    # padding_idx row is fixed to zeros, matching nn.Embedding(padding_idx=PAD)
    word_lut = word_lut.at[PAD].set(0.0)
    return {"src_input": src_input, "word_lut": word_lut}


def reference(src_input, word_lut):
    # Embeddings.forward with feature_dicts=None and position_encoding=False:
    # emb = self.word_lut(src_input[:, :, 0])
    idx = src_input[:, :, 0]
    emb = jnp.take(word_lut, idx, axis=0)
    return emb

if __name__ == "__main__":
    import jax
    _d = setup_inputs()
    print(jax.jit(kernel)(*tuple(_d.values())))

</pallas_src>

<mosaic_0001>
#map = affine_map<(d0, d1) -> (0, 0)>
#map1 = affine_map<(d0, d1) -> (0, 0, 0)>
module attributes {stable_mosaic.version = 14 : i64} {
  func.func @_emb_lookup(%arg0: i32, %arg1: i32, %arg2: memref<200x4096xi32, #tpu.memory_space<hbm>>, %arg3: memref<1000000x64xf32, #tpu.memory_space<hbm>>, %arg4: memref<200x4096x64xf32, #tpu.memory_space<hbm>>, %arg5: memref<200x128xi32, #tpu.memory_space<vmem>>, %arg6: memref<5x128x64xf32, #tpu.memory_space<vmem>>, %arg7: memref<5x128x64xf32, #tpu.memory_space<vmem>>, %arg8: memref<!tpu.dma_semaphore, #tpu.memory_space<semaphore_mem>>, %arg9: memref<!tpu.dma_semaphore, #tpu.memory_space<semaphore_mem>>, %arg10: memref<!tpu.dma_semaphore, #tpu.memory_space<semaphore_mem>>, %arg11: memref<!tpu.dma_semaphore, #tpu.memory_space<semaphore_mem>>) attributes {dimension_semantics = [#tpu.dimension_semantics<core_parallel>, #tpu.dimension_semantics<subcore_parallel>], iteration_bounds = array<i64: 2, 16>, scalar_prefetch = 0 : i64, scratch_operands = 7 : i64, tpu.core_type = #tpu.core_type<sc_vector_subcore>, window_params = [{transform_indices = #map}, {transform_indices = #map}, {transform_indices = #map1}]} {
    %mul3A = arith.constant 2 : i32
    %mul3A_0 = arith.muli %arg1, %mul3A : i32
    %add3A = arith.addi %mul3A_0, %arg0 : i32
    %mul3A_1 = arith.constant 128 : i32
    %mul3A_2 = arith.muli %add3A, %mul3A_1 : i32
    %multiple_of3A = tpu.assume_multiple %mul3A_2, 128 : i32
    "tpu.region"() ({
      %run_scoped3A = tpu.sem_alloc : memref<!tpu.dma_semaphore, #tpu.memory_space<semaphore_mem>>
      %dma_start3A_334 = arith.constant 0 : i32
      %dma_start3A_335 = tpu.memref_slice %arg2[%dma_start3A_334, %multiple_of3A] : memref<200x4096xi32, #tpu.memory_space<hbm>> -> memref<200x128xi32, #tpu.memory_space<hbm>>
      %dma_start3A_336 = arith.constant 0 : i32
      %dma_start3A_337 = tpu.memref_slice %arg2[%dma_start3A_336, %multiple_of3A] : memref<200x4096xi32, #tpu.memory_space<hbm>> -> memref<200x128xi32, #tpu.memory_space<hbm>>
      tpu.enqueue_dma source(%dma_start3A_337 : memref<200x128xi32, #tpu.memory_space<hbm>>) target(%arg5 : memref<200x128xi32, #tpu.memory_space<vmem>>) target_semaphore(%run_scoped3A : memref<!tpu.dma_semaphore, #tpu.memory_space<semaphore_mem>>)
      %dma_wait3A_338 = arith.constant 0 : i32
      %dma_wait3A_339 = tpu.memref_slice %arg2[%dma_wait3A_338, %multiple_of3A] : memref<200x4096xi32, #tpu.memory_space<hbm>> -> memref<200x128xi32, #tpu.memory_space<hbm>>
      %dma_wait3A_340 = arith.constant 0 : i32
      %dma_wait3A_341 = tpu.memref_slice %arg2[%dma_wait3A_340, %multiple_of3A] : memref<200x4096xi32, #tpu.memory_space<hbm>> -> memref<200x128xi32, #tpu.memory_space<hbm>>
      tpu.wait_dma2 semaphore(%run_scoped3A : memref<!tpu.dma_semaphore, #tpu.memory_space<semaphore_mem>>) src(%dma_wait3A_341 : memref<200x128xi32, #tpu.memory_space<hbm>>) dst(%arg5 : memref<200x128xi32, #tpu.memory_space<vmem>>)
      tpu.yield
    }) : () -> ()
    %dma_start3A = arith.constant 0 : i32
    %dma_start3A_3 = arith.constant 0 : i32
    %dma_start3A_4 = arith.constant 0 : i32
    %dma_start3A_5 = arith.constant 0 : i32
    %dma_start3A_6 = tpu.memref_slice %arg6[%dma_start3A_3, %dma_start3A_4, %dma_start3A_5] : memref<5x128x64xf32, #tpu.memory_space<vmem>> -> memref<1x128x64xf32, #tpu.memory_space<vmem>>
    %dma_start3A_7 = tpu.memref_squeeze %dma_start3A_6 : memref<1x128x64xf32, #tpu.memory_space<vmem>> -> memref<128x64xf32, #tpu.memory_space<vmem>>
    %dma_start3A_8 = arith.constant 0 : i32
    %dma_start3A_9 = tpu.memref_slice %arg5[%dma_start3A, %dma_start3A_8] : memref<200x128xi32, #tpu.memory_space<vmem>> -> memref<1x128xi32, #tpu.memory_space<vmem>>
    %dma_start3A_10 = tpu.memref_squeeze %dma_start3A_9 : memref<1x128xi32, #tpu.memory_space<vmem>> -> memref<128xi32, #tpu.memory_space<vmem>>
    %dma_start3A_11 = arith.constant 0 : i32
    %dma_start3A_12 = arith.constant 0 : i32
    %dma_start3A_13 = tpu.memref_slice %arg3[%dma_start3A_11, %dma_start3A_12] : memref<1000000x64xf32, #tpu.memory_space<hbm>> -> memref<1000000x64xf32, #tpu.memory_space<hbm>>
    tpu.enqueue_indirect_dma source(%dma_start3A_13 : memref<1000000x64xf32, #tpu.memory_space<hbm>>) target(%dma_start3A_7 : memref<128x64xf32, #tpu.memory_space<vmem>>) offsets(%dma_start3A_10 : memref<128xi32, #tpu.memory_space<vmem>>) semaphore(%arg8 : memref<!tpu.dma_semaphore, #tpu.memory_space<semaphore_mem>>)
    %dma_start3A_14 = arith.constant 1 : i32
    %dma_start3A_15 = arith.constant 1 : i32
    %dma_start3A_16 = arith.constant 0 : i32
    %dma_start3A_17 = arith.constant 0 : i32
    %dma_start3A_18 = tpu.memref_slice %arg6[%dma_start3A_15, %dma_start3A_16, %dma_start3A_17] : memref<5x128x64xf32, #tpu.memory_space<vmem>> -> memref<1x128x64xf32, #tpu.memory_space<vmem>>
    %dma_start3A_19 = tpu.memref_squeeze %dma_start3A_18 : memref<1x128x64xf32, #tpu.memory_space<vmem>> -> memref<128x64xf32, #tpu.memory_space<vmem>>
    %dma_start3A_20 = arith.constant 0 : i32
    %dma_start3A_21 = tpu.memref_slice %arg5[%dma_start3A_14, %dma_start3A_20] : memref<200x128xi32, #tpu.memory_space<vmem>> -> memref<1x128xi32, #tpu.memory_space<vmem>>
    %dma_start3A_22 = tpu.memref_squeeze %dma_start3A_21 : memref<1x128xi32, #tpu.memory_space<vmem>> -> memref<128xi32, #tpu.memory_space<vmem>>
    %dma_start3A_23 = arith.constant 0 : i32
    %dma_start3A_24 = arith.constant 0 : i32
    %dma_start3A_25 = tpu.memref_slice %arg3[%dma_start3A_23, %dma_start3A_24] : memref<1000000x64xf32, #tpu.memory_space<hbm>> -> memref<1000000x64xf32, #tpu.memory_space<hbm>>
    tpu.enqueue_indirect_dma source(%dma_start3A_25 : memref<1000000x64xf32, #tpu.memory_space<hbm>>) target(%dma_start3A_19 : memref<128x64xf32, #tpu.memory_space<vmem>>) offsets(%dma_start3A_22 : memref<128xi32, #tpu.memory_space<vmem>>) semaphore(%arg8 : memref<!tpu.dma_semaphore, #tpu.memory_space<semaphore_mem>>)
    %dma_start3A_26 = arith.constant 2 : i32
    %dma_start3A_27 = arith.constant 2 : i32
    %dma_start3A_28 = arith.constant 0 : i32
    %dma_start3A_29 = arith.constant 0 : i32
    %dma_start3A_30 = tpu.memref_slice %arg6[%dma_start3A_27, %dma_start3A_28, %dma_start3A_29] : memref<5x128x64xf32, #tpu.memory_space<vmem>> -> memref<1x128x64xf32, #tpu.memory_space<vmem>>
    %dma_start3A_31 = tpu.memref_squeeze %dma_start3A_30 : memref<1x128x64xf32, #tpu.memory_space<vmem>> -> memref<128x64xf32, #tpu.memory_space<vmem>>
    %dma_start3A_32 = arith.constant 0 : i32
    %dma_start3A_33 = tpu.memref_slice %arg5[%dma_start3A_26, %dma_start3A_32] : memref<200x128xi32, #tpu.memory_space<vmem>> -> memref<1x128xi32, #tpu.memory_space<vmem>>
    %dma_start3A_34 = tpu.memref_squeeze %dma_start3A_33 : memref<1x128xi32, #tpu.memory_space<vmem>> -> memref<128xi32, #tpu.memory_space<vmem>>
    %dma_start3A_35 = arith.constant 0 : i32
    %dma_start3A_36 = arith.constant 0 : i32
    %dma_start3A_37 = tpu.memref_slice %arg3[%dma_start3A_35, %dma_start3A_36] : memref<1000000x64xf32, #tpu.memory_space<hbm>> -> memref<1000000x64xf32, #tpu.memory_space<hbm>>
    tpu.enqueue_indirect_dma source(%dma_start3A_37 : memref<1000000x64xf32, #tpu.memory_space<hbm>>) target(%dma_start3A_31 : memref<128x64xf32, #tpu.memory_space<vmem>>) offsets(%dma_start3A_34 : memref<128xi32, #tpu.memory_space<vmem>>) semaphore(%arg8 : memref<!tpu.dma_semaphore, #tpu.memory_space<semaphore_mem>>)
    %dma_start3A_38 = arith.constant 3 : i32
    %dma_start3A_39 = arith.constant 3 : i32
    %dma_start3A_40 = arith.constant 0 : i32
    %dma_start3A_41 = arith.constant 0 : i32
    %dma_start3A_42 = tpu.memref_slice %arg6[%dma_start3A_39, %dma_start3A_40, %dma_start3A_41] : memref<5x128x64xf32, #tpu.memory_space<vmem>> -> memref<1x128x64xf32, #tpu.memory_space<vmem>>
    %dma_start3A_43 = tpu.memref_squeeze %dma_start3A_42 : memref<1x128x64xf32, #tpu.memory_space<vmem>> -> memref<128x64xf32, #tpu.memory_space<vmem>>
    %dma_start3A_44 = arith.constant 0 : i32
    %dma_start3A_45 = tpu.memref_slice %arg5[%dma_start3A_38, %dma_start3A_44] : memref<200x128xi32, #tpu.memory_space<vmem>> -> memref<1x128xi32, #tpu.memory_space<vmem>>
    %dma_start3A_46 = tpu.memref_squeeze %dma_start3A_45 : memref<1x128xi32, #tpu.memory_space<vmem>> -> memref<128xi32, #tpu.memory_space<vmem>>
    %dma_start3A_47 = arith.constant 0 : i32
    %dma_start3A_48 = arith.constant 0 : i32
    %dma_start3A_49 = tpu.memref_slice %arg3[%dma_start3A_47, %dma_start3A_48] : memref<1000000x64xf32, #tpu.memory_space<hbm>> -> memref<1000000x64xf32, #tpu.memory_space<hbm>>
    tpu.enqueue_indirect_dma source(%dma_start3A_49 : memref<1000000x64xf32, #tpu.memory_space<hbm>>) target(%dma_start3A_43 : memref<128x64xf32, #tpu.memory_space<vmem>>) offsets(%dma_start3A_46 : memref<128xi32, #tpu.memory_space<vmem>>) semaphore(%arg8 : memref<!tpu.dma_semaphore, #tpu.memory_space<semaphore_mem>>)
    %dma_start3A_50 = arith.constant 4 : i32
    %dma_start3A_51 = arith.constant 4 : i32
    %dma_start3A_52 = arith.constant 0 : i32
    %dma_start3A_53 = arith.constant 0 : i32
    %dma_start3A_54 = tpu.memref_slice %arg6[%dma_start3A_51, %dma_start3A_52, %dma_start3A_53] : memref<5x128x64xf32, #tpu.memory_space<vmem>> -> memref<1x128x64xf32, #tpu.memory_space<vmem>>
    %dma_start3A_55 = tpu.memref_squeeze %dma_start3A_54 : memref<1x128x64xf32, #tpu.memory_space<vmem>> -> memref<128x64xf32, #tpu.memory_space<vmem>>
    %dma_start3A_56 = arith.constant 0 : i32
    %dma_start3A_57 = tpu.memref_slice %arg5[%dma_start3A_50, %dma_start3A_56] : memref<200x128xi32, #tpu.memory_space<vmem>> -> memref<1x128xi32, #tpu.memory_space<vmem>>
    %dma_start3A_58 = tpu.memref_squeeze %dma_start3A_57 : memref<1x128xi32, #tpu.memory_space<vmem>> -> memref<128xi32, #tpu.memory_space<vmem>>
    %dma_start3A_59 = arith.constant 0 : i32
    %dma_start3A_60 = arith.constant 0 : i32
    %dma_start3A_61 = tpu.memref_slice %arg3[%dma_start3A_59, %dma_start3A_60] : memref<1000000x64xf32, #tpu.memory_space<hbm>> -> memref<1000000x64xf32, #tpu.memory_space<hbm>>
    tpu.enqueue_indirect_dma source(%dma_start3A_61 : memref<1000000x64xf32, #tpu.memory_space<hbm>>) target(%dma_start3A_55 : memref<128x64xf32, #tpu.memory_space<vmem>>) offsets(%dma_start3A_58 : memref<128xi32, #tpu.memory_space<vmem>>) semaphore(%arg8 : memref<!tpu.dma_semaphore, #tpu.memory_space<semaphore_mem>>)
    %dma_wait3A = arith.constant 0 : i32
    %dma_wait3A_62 = arith.constant 0 : i32
    %dma_wait3A_63 = arith.constant 0 : i32
    %dma_wait3A_64 = tpu.memref_slice %arg4[%dma_wait3A, %dma_wait3A_62, %dma_wait3A_63] : memref<200x4096x64xf32, #tpu.memory_space<hbm>> -> memref<5x128x64xf32, #tpu.memory_space<hbm>>
    %dma_wait3A_65 = arith.constant 0 : i32
    %dma_wait3A_66 = arith.constant 0 : i32
    %dma_wait3A_67 = arith.constant 0 : i32
    %dma_wait3A_68 = tpu.memref_slice %arg4[%dma_wait3A_65, %dma_wait3A_66, %dma_wait3A_67] : memref<200x4096x64xf32, #tpu.memory_space<hbm>> -> memref<5x128x64xf32, #tpu.memory_space<hbm>>
    tpu.wait_dma2 semaphore(%arg8 : memref<!tpu.dma_semaphore, #tpu.memory_space<semaphore_mem>>) src(%dma_wait3A_68 : memref<5x128x64xf32, #tpu.memory_space<hbm>>) dst(%arg6 : memref<5x128x64xf32, #tpu.memory_space<vmem>>)
    %dma_start3A_69 = arith.constant 0 : i32
    %dma_start3A_70 = arith.constant 0 : i32
    %dma_start3A_71 = tpu.memref_slice %arg4[%dma_start3A_69, %multiple_of3A, %dma_start3A_70] : memref<200x4096x64xf32, #tpu.memory_space<hbm>> -> memref<5x128x64xf32, #tpu.memory_space<hbm>>
    %dma_start3A_72 = arith.constant 0 : i32
    %dma_start3A_73 = arith.constant 0 : i32
    %dma_start3A_74 = tpu.memref_slice %arg4[%dma_start3A_72, %multiple_of3A, %dma_start3A_73] : memref<200x4096x64xf32, #tpu.memory_space<hbm>> -> memref<5x128x64xf32, #tpu.memory_space<hbm>>
    tpu.enqueue_dma source(%arg6 : memref<5x128x64xf32, #tpu.memory_space<vmem>>) target(%dma_start3A_74 : memref<5x128x64xf32, #tpu.memory_space<hbm>>) target_semaphore(%arg10 : memref<!tpu.dma_semaphore, #tpu.memory_space<semaphore_mem>>)
    %dma_start3A_75 = arith.constant 5 : i32
    %dma_start3A_76 = arith.constant 0 : i32
    %dma_start3A_77 = arith.constant 0 : i32
    %dma_start3A_78 = arith.constant 0 : i32
    %dma_start3A_79 = tpu.memref_slice %arg7[%dma_start3A_76, %dma_start3A_77, %dma_start3A_78] : memref<5x128x64xf32, #tpu.memory_space<vmem>> -> memref<1x128x64xf32, #tpu.memory_space<vmem>>
    %dma_start3A_80 = tpu.memref_squeeze %dma_start3A_79 : memref<1x128x64xf32, #tpu.memory_space<vmem>> -> memref<128x64xf32, #tpu.memory_space<vmem>>
    %dma_start3A_81 = arith.constant 0 : i32
    %dma_start3A_82 = tpu.memref_slice %arg5[%dma_start3A_75, %dma_start3A_81] : memref<200x128xi32, #tpu.memory_space<vmem>> -> memref<1x128xi32, #tpu.memory_space<vmem>>
    %dma_start3A_83 = tpu.memref_squeeze %dma_start3A_82 : memref<1x128xi32, #tpu.memory_space<vmem>> -> memref<128xi32, #tpu.memory_space<vmem>>
    %dma_start3A_84 = arith.constant 0 : i32
    %dma_start3A_85 = arith.constant 0 : i32
    %dma_start3A_86 = tpu.memref_slice %arg3[%dma_start3A_84, %dma_start3A_85] : memref<1000000x64xf32, #tpu.memory_space<hbm>> -> memref<1000000x64xf32, #tpu.memory_space<hbm>>
    tpu.enqueue_indirect_dma source(%dma_start3A_86 : memref<1000000x64xf32, #tpu.memory_space<hbm>>) target(%dma_start3A_80 : memref<128x64xf32, #tpu.memory_space<vmem>>) offsets(%dma_start3A_83 : memref<128xi32, #tpu.memory_space<vmem>>) semaphore(%arg9 : memref<!tpu.dma_semaphore, #tpu.memory_space<semaphore_mem>>)
    %dma_start3A_87 = arith.constant 6 : i32
    %dma_start3A_88 = arith.constant 1 : i32
    %dma_start3A_89 = arith.constant 0 : i32
    %dma_start3A_90 = arith.constant 0 : i32
    %dma_start3A_91 = tpu.memref_slice %arg7[%dma_start3A_88, %dma_start3A_89, %dma_start3A_90] : memref<5x128x64xf32, #tpu.memory_space<vmem>> -> memref<1x128x64xf32, #tpu.memory_space<vmem>>
    %dma_start3A_92 = tpu.memref_squeeze %dma_start3A_91 : memref<1x128x64xf32, #tpu.memory_space<vmem>> -> memref<128x64xf32, #tpu.memory_space<vmem>>
    %dma_start3A_93 = arith.constant 0 : i32
    %dma_start3A_94 = tpu.memref_slice %arg5[%dma_start3A_87, %dma_start3A_93] : memref<200x128xi32, #tpu.memory_space<vmem>> -> memref<1x128xi32, #tpu.memory_space<vmem>>
    %dma_start3A_95 = tpu.memref_squeeze %dma_start3A_94 : memref<1x128xi32, #tpu.memory_space<vmem>> -> memref<128xi32, #tpu.memory_space<vmem>>
    %dma_start3A_96 = arith.constant 0 : i32
    %dma_start3A_97 = arith.constant 0 : i32
    %dma_start3A_98 = tpu.memref_slice %arg3[%dma_start3A_96, %dma_start3A_97] : memref<1000000x64xf32, #tpu.memory_space<hbm>> -> memref<1000000x64xf32, #tpu.memory_space<hbm>>
    tpu.enqueue_indirect_dma source(%dma_start3A_98 : memref<1000000x64xf32, #tpu.memory_space<hbm>>) target(%dma_start3A_92 : memref<128x64xf32, #tpu.memory_space<vmem>>) offsets(%dma_start3A_95 : memref<128xi32, #tpu.memory_space<vmem>>) semaphore(%arg9 : memref<!tpu.dma_semaphore, #tpu.memory_space<semaphore_mem>>)
    %dma_start3A_99 = arith.constant 7 : i32
    %dma_start3A_100 = arith.constant 2 : i32
    %dma_start3A_101 = arith.constant 0 : i32
    %dma_start3A_102 = arith.constant 0 : i32
    %dma_start3A_103 = tpu.memref_slice %arg7[%dma_start3A_100, %dma_start3A_101, %dma_start3A_102] : memref<5x128x64xf32, #tpu.memory_space<vmem>> -> memref<1x128x64xf32, #tpu.memory_space<vmem>>
    %dma_start3A_104 = tpu.memref_squeeze %dma_start3A_103 : memref<1x128x64xf32, #tpu.memory_space<vmem>> -> memref<128x64xf32, #tpu.memory_space<vmem>>
    %dma_start3A_105 = arith.constant 0 : i32
    %dma_start3A_106 = tpu.memref_slice %arg5[%dma_start3A_99, %dma_start3A_105] : memref<200x128xi32, #tpu.memory_space<vmem>> -> memref<1x128xi32, #tpu.memory_space<vmem>>
    %dma_start3A_107 = tpu.memref_squeeze %dma_start3A_106 : memref<1x128xi32, #tpu.memory_space<vmem>> -> memref<128xi32, #tpu.memory_space<vmem>>
    %dma_start3A_108 = arith.constant 0 : i32
    %dma_start3A_109 = arith.constant 0 : i32
    %dma_start3A_110 = tpu.memref_slice %arg3[%dma_start3A_108, %dma_start3A_109] : memref<1000000x64xf32, #tpu.memory_space<hbm>> -> memref<1000000x64xf32, #tpu.memory_space<hbm>>
    tpu.enqueue_indirect_dma source(%dma_start3A_110 : memref<1000000x64xf32, #tpu.memory_space<hbm>>) target(%dma_start3A_104 : memref<128x64xf32, #tpu.memory_space<vmem>>) offsets(%dma_start3A_107 : memref<128xi32, #tpu.memory_space<vmem>>) semaphore(%arg9 : memref<!tpu.dma_semaphore, #tpu.memory_space<semaphore_mem>>)
    %dma_start3A_111 = arith.constant 8 : i32
    %dma_start3A_112 = arith.constant 3 : i32
    %dma_start3A_113 = arith.constant 0 : i32
    %dma_start3A_114 = arith.constant 0 : i32
    %dma_start3A_115 = tpu.memref_slice %arg7[%dma_start3A_112, %dma_start3A_113, %dma_start3A_114] : memref<5x128x64xf32, #tpu.memory_space<vmem>> -> memref<1x128x64xf32, #tpu.memory_space<vmem>>
    %dma_start3A_116 = tpu.memref_squeeze %dma_start3A_115 : memref<1x128x64xf32, #tpu.memory_space<vmem>> -> memref<128x64xf32, #tpu.memory_space<vmem>>
    %dma_start3A_117 = arith.constant 0 : i32
    %dma_start3A_118 = tpu.memref_slice %arg5[%dma_start3A_111, %dma_start3A_117] : memref<200x128xi32, #tpu.memory_space<vmem>> -> memref<1x128xi32, #tpu.memory_space<vmem>>
    %dma_start3A_119 = tpu.memref_squeeze %dma_start3A_118 : memref<1x128xi32, #tpu.memory_space<vmem>> -> memref<128xi32, #tpu.memory_space<vmem>>
    %dma_start3A_120 = arith.constant 0 : i32
    %dma_start3A_121 = arith.constant 0 : i32
    %dma_start3A_122 = tpu.memref_slice %arg3[%dma_start3A_120, %dma_start3A_121] : memref<1000000x64xf32, #tpu.memory_space<hbm>> -> memref<1000000x64xf32, #tpu.memory_space<hbm>>
    tpu.enqueue_indirect_dma source(%dma_start3A_122 : memref<1000000x64xf32, #tpu.memory_space<hbm>>) target(%dma_start3A_116 : memref<128x64xf32, #tpu.memory_space<vmem>>) offsets(%dma_start3A_119 : memref<128xi32, #tpu.memory_space<vmem>>) semaphore(%arg9 : memref<!tpu.dma_semaphore, #tpu.memory_space<semaphore_mem>>)
    %dma_start3A_123 = arith.constant 9 : i32
    %dma_start3A_124 = arith.constant 4 : i32
    %dma_start3A_125 = arith.constant 0 : i32
    %dma_start3A_126 = arith.constant 0 : i32
    %dma_start3A_127 = tpu.memref_slice %arg7[%dma_start3A_124, %dma_start3A_125, %dma_start3A_126] : memref<5x128x64xf32, #tpu.memory_space<vmem>> -> memref<1x128x64xf32, #tpu.memory_space<vmem>>
    %dma_start3A_128 = tpu.memref_squeeze %dma_start3A_127 : memref<1x128x64xf32, #tpu.memory_space<vmem>> -> memref<128x64xf32, #tpu.memory_space<vmem>>
    %dma_start3A_129 = arith.constant 0 : i32
    %dma_start3A_130 = tpu.memref_slice %arg5[%dma_start3A_123, %dma_start3A_129] : memref<200x128xi32, #tpu.memory_space<vmem>> -> memref<1x128xi32, #tpu.memory_space<vmem>>
    %dma_start3A_131 = tpu.memref_squeeze %dma_start3A_130 : memref<1x128xi32, #tpu.memory_space<vmem>> -> memref<128xi32, #tpu.memory_space<vmem>>
    %dma_start3A_132 = arith.constant 0 : i32
    %dma_start3A_133 = arith.constant 0 : i32
    %dma_start3A_134 = tpu.memref_slice %arg3[%dma_start3A_132, %dma_start3A_133] : memref<1000000x64xf32, #tpu.memory_space<hbm>> -> memref<1000000x64xf32, #tpu.memory_space<hbm>>
    tpu.enqueue_indirect_dma source(%dma_start3A_134 : memref<1000000x64xf32, #tpu.memory_space<hbm>>) target(%dma_start3A_128 : memref<128x64xf32, #tpu.memory_space<vmem>>) offsets(%dma_start3A_131 : memref<128xi32, #tpu.memory_space<vmem>>) semaphore(%arg9 : memref<!tpu.dma_semaphore, #tpu.memory_space<semaphore_mem>>)
    %dma_wait3A_135 = arith.constant 0 : i32
    %dma_wait3A_136 = arith.constant 0 : i32
    %dma_wait3A_137 = arith.constant 0 : i32
    %dma_wait3A_138 = tpu.memref_slice %arg4[%dma_wait3A_135, %dma_wait3A_136, %dma_wait3A_137] : memref<200x4096x64xf32, #tpu.memory_space<hbm>> -> memref<5x128x64xf32, #tpu.memory_space<hbm>>
    %dma_wait3A_139 = arith.constant 0 : i32
    %dma_wait3A_140 = arith.constant 0 : i32
    %dma_wait3A_141 = arith.constant 0 : i32
    %dma_wait3A_142 = tpu.memref_slice %arg4[%dma_wait3A_139, %dma_wait3A_140, %dma_wait3A_141] : memref<200x4096x64xf32, #tpu.memory_space<hbm>> -> memref<5x128x64xf32, #tpu.memory_space<hbm>>
    tpu.wait_dma2 semaphore(%arg9 : memref<!tpu.dma_semaphore, #tpu.memory_space<semaphore_mem>>) src(%dma_wait3A_142 : memref<5x128x64xf32, #tpu.memory_space<hbm>>) dst(%arg7 : memref<5x128x64xf32, #tpu.memory_space<vmem>>)
    %dma_start3A_143 = arith.constant 5 : i32
    %dma_start3A_144 = arith.constant 0 : i32
    %dma_start3A_145 = tpu.memref_slice %arg4[%dma_start3A_143, %multiple_of3A, %dma_start3A_144] : memref<200x4096x64xf32, #tpu.memory_space<hbm>> -> memref<5x128x64xf32, #tpu.memory_space<hbm>>
    %dma_start3A_146 = arith.constant 5 : i32
    %dma_start3A_147 = arith.constant 0 : i32
    %dma_start3A_148 = tpu.memref_slice %arg4[%dma_start3A_146, %multiple_of3A, %dma_start3A_147] : memref<200x4096x64xf32, #tpu.memory_space<hbm>> -> memref<5x128x64xf32, #tpu.memory_space<hbm>>
    tpu.enqueue_dma source(%arg7 : memref<5x128x64xf32, #tpu.memory_space<vmem>>) target(%dma_start3A_148 : memref<5x128x64xf32, #tpu.memory_space<hbm>>) target_semaphore(%arg11 : memref<!tpu.dma_semaphore, #tpu.memory_space<semaphore_mem>>)
    %dma_wait3A_149 = arith.constant 0 : i32
    %dma_wait3A_150 = arith.constant 0 : i32
    %dma_wait3A_151 = arith.constant 0 : i32
    %dma_wait3A_152 = tpu.memref_slice %arg4[%dma_wait3A_149, %dma_wait3A_150, %dma_wait3A_151] : memref<200x4096x64xf32, #tpu.memory_space<hbm>> -> memref<5x128x64xf32, #tpu.memory_space<hbm>>
    %dma_wait3A_153 = arith.constant 0 : i32
    %dma_wait3A_154 = arith.constant 0 : i32
    %dma_wait3A_155 = arith.constant 0 : i32
    %dma_wait3A_156 = tpu.memref_slice %arg4[%dma_wait3A_153, %dma_wait3A_154, %dma_wait3A_155] : memref<200x4096x64xf32, #tpu.memory_space<hbm>> -> memref<5x128x64xf32, #tpu.memory_space<hbm>>
    tpu.wait_dma2 semaphore(%arg10 : memref<!tpu.dma_semaphore, #tpu.memory_space<semaphore_mem>>) src(%arg6 : memref<5x128x64xf32, #tpu.memory_space<vmem>>) dst(%dma_wait3A_156 : memref<5x128x64xf32, #tpu.memory_space<hbm>>)
    %dma_start3A_157 = arith.constant 10 : i32
    %dma_start3A_158 = arith.constant 0 : i32
    %dma_start3A_159 = arith.constant 0 : i32
    %dma_start3A_160 = arith.constant 0 : i32
    %dma_start3A_161 = tpu.memref_slice %arg6[%dma_start3A_158, %dma_start3A_159, %dma_start3A_160] : memref<5x128x64xf32, #tpu.memory_space<vmem>> -> memref<1x128x64xf32, #tpu.memory_space<vmem>>
    %dma_start3A_162 = tpu.memref_squeeze %dma_start3A_161 : memref<1x128x64xf32, #tpu.memory_space<vmem>> -> memref<128x64xf32, #tpu.memory_space<vmem>>
    %dma_start3A_163 = arith.constant 0 : i32
    %dma_start3A_164 = tpu.memref_slice %arg5[%dma_start3A_157, %dma_start3A_163] : memref<200x128xi32, #tpu.memory_space<vmem>> -> memref<1x128xi32, #tpu.memory_space<vmem>>
    %dma_start3A_165 = tpu.memref_squeeze %dma_start3A_164 : memref<1x128xi32, #tpu.memory_space<vmem>> -> memref<128xi32, #tpu.memory_space<vmem>>
    %dma_start3A_166 = arith.constant 0 : i32
    %dma_start3A_167 = arith.constant 0 : i32
    %dma_start3A_168 = tpu.memref_slice %arg3[%dma_start3A_166, %dma_start3A_167] : memref<1000000x64xf32, #tpu.memory_space<hbm>> -> memref<1000000x64xf32, #tpu.memory_space<hbm>>
    tpu.enqueue_indirect_dma source(%dma_start3A_168 : memref<1000000x64xf32, #tpu.memory_space<hbm>>) target(%dma_start3A_162 : memref<128x64xf32, #tpu.memory_space<vmem>>) offsets(%dma_start3A_165 : memref<128xi32, #tpu.memory_space<vmem>>) semaphore(%arg8 : memref<!tpu.dma_semaphore, #tpu.memory_space<semaphore_mem>>)
    %dma_start3A_169 = arith.constant 11 : i32
    %dma_start3A_170 = arith.constant 1 : i32
    %dma_start3A_171 = arith.constant 0 : i32
    %dma_start3A_172 = arith.constant 0 : i32
    %dma_start3A_173 = tpu.memref_slice %arg6[%dma_start3A_170, %dma_start3A_171, %dma_start3A_172] : memref<5x128x64xf32, #tpu.memory_space<vmem>> -> memref<1x128x64xf32, #tpu.memory_space<vmem>>
    %dma_start3A_174 = tpu.memref_squeeze %dma_start3A_173 : memref<1x128x64xf32, #tpu.memory_space<vmem>> -> memref<128x64xf32, #tpu.memory_space<vmem>>
    %dma_start3A_175 = arith.constant 0 : i32
    %dma_start3A_176 = tpu.memref_slice %arg5[%dma_start3A_169, %dma_start3A_175] : memref<200x128xi32, #tpu.memory_space<vmem>> -> memref<1x128xi32, #tpu.memory_space<vmem>>
    %dma_start3A_177 = tpu.memref_squeeze %dma_start3A_176 : memref<1x128xi32, #tpu.memory_space<vmem>> -> memref<128xi32, #tpu.memory_space<vmem>>
    %dma_start3A_178 = arith.constant 0 : i32
    %dma_start3A_179 = arith.constant 0 : i32
    %dma_start3A_180 = tpu.memref_slice %arg3[%dma_start3A_178, %dma_start3A_179] : memref<1000000x64xf32, #tpu.memory_space<hbm>> -> memref<1000000x64xf32, #tpu.memory_space<hbm>>
    tpu.enqueue_indirect_dma source(%dma_start3A_180 : memref<1000000x64xf32, #tpu.memory_space<hbm>>) target(%dma_start3A_174 : memref<128x64xf32, #tpu.memory_space<vmem>>) offsets(%dma_start3A_177 : memref<128xi32, #tpu.memory_space<vmem>>) semaphore(%arg8 : memref<!tpu.dma_semaphore, #tpu.memory_space<semaphore_mem>>)
    %dma_start3A_181 = arith.constant 12 : i32
    %dma_start3A_182 = arith.constant 2 : i32
    %dma_start3A_183 = arith.constant 0 : i32
    %dma_start3A_184 = arith.constant 0 : i32
    %dma_start3A_185 = tpu.memref_slice %arg6[%dma_start3A_182, %dma_start3A_183, %dma_start3A_184] : memref<5x128x64xf32, #tpu.memory_space<vmem>> -> memref<1x128x64xf32, #tpu.memory_space<vmem>>
    %dma_start3A_186 = tpu.memref_squeeze %dma_start3A_185 : memref<1x128x64xf32, #tpu.memory_space<vmem>> -> memref<128x64xf32, #tpu.memory_space<vmem>>
    %dma_start3A_187 = arith.constant 0 : i32
    %dma_start3A_188 = tpu.memref_slice %arg5[%dma_start3A_181, %dma_start3A_187] : memref<200x128xi32, #tpu.memory_space<vmem>> -> memref<1x128xi32, #tpu.memory_space<vmem>>
    %dma_start3A_189 = tpu.memref_squeeze %dma_start3A_188 : memref<1x128xi32, #tpu.memory_space<vmem>> -> memref<128xi32, #tpu.memory_space<vmem>>
    %dma_start3A_190 = arith.constant 0 : i32
    %dma_start3A_191 = arith.constant 0 : i32
    %dma_start3A_192 = tpu.memref_slice %arg3[%dma_start3A_190, %dma_start3A_191] : memref<1000000x64xf32, #tpu.memory_space<hbm>> -> memref<1000000x64xf32, #tpu.memory_space<hbm>>
    tpu.enqueue_indirect_dma source(%dma_start3A_192 : memref<1000000x64xf32, #tpu.memory_space<hbm>>) target(%dma_start3A_186 : memref<128x64xf32, #tpu.memory_space<vmem>>) offsets(%dma_start3A_189 : memref<128xi32, #tpu.memory_space<vmem>>) semaphore(%arg8 : memref<!tpu.dma_semaphore, #tpu.memory_space<semaphore_mem>>)
    %dma_start3A_193 = arith.constant 13 : i32
    %dma_start3A_194 = arith.constant 3 : i32
    %dma_start3A_195 = arith.constant 0 : i32
    %dma_start3A_196 = arith.constant 0 : i32
    %dma_start3A_197 = tpu.memref_slice %arg6[%dma_start3A_194, %dma_start3A_195, %dma_start3A_196] : memref<5x128x64xf32, #tpu.memory_space<vmem>> -> memref<1x128x64xf32, #tpu.memory_space<vmem>>
    %dma_start3A_198 = tpu.memref_squeeze %dma_start3A_197 : memref<1x128x64xf32, #tpu.memory_space<vmem>> -> memref<128x64xf32, #tpu.memory_space<vmem>>
    %dma_start3A_199 = arith.constant 0 : i32
    %dma_start3A_200 = tpu.memref_slice %arg5[%dma_start3A_193, %dma_start3A_199] : memref<200x128xi32, #tpu.memory_space<vmem>> -> memref<1x128xi32, #tpu.memory_space<vmem>>
    %dma_start3A_201 = tpu.memref_squeeze %dma_start3A_200 : memref<1x128xi32, #tpu.memory_space<vmem>> -> memref<128xi32, #tpu.memory_space<vmem>>
    %dma_start3A_202 = arith.constant 0 : i32
    %dma_start3A_203 = arith.constant 0 : i32
    %dma_start3A_204 = tpu.memref_slice %arg3[%dma_start3A_202, %dma_start3A_203] : memref<1000000x64xf32, #tpu.memory_space<hbm>> -> memref<1000000x64xf32, #tpu.memory_space<hbm>>
    tpu.enqueue_indirect_dma source(%dma_start3A_204 : memref<1000000x64xf32, #tpu.memory_space<hbm>>) target(%dma_start3A_198 : memref<128x64xf32, #tpu.memory_space<vmem>>) offsets(%dma_start3A_201 : memref<128xi32, #tpu.memory_space<vmem>>) semaphore(%arg8 : memref<!tpu.dma_semaphore, #tpu.memory_space<semaphore_mem>>)
    %dma_start3A_205 = arith.constant 14 : i32
    %dma_start3A_206 = arith.constant 4 : i32
    %dma_start3A_207 = arith.constant 0 : i32
    %dma_start3A_208 = arith.constant 0 : i32
    %dma_start3A_209 = tpu.memref_slice %arg6[%dma_start3A_206, %dma_start3A_207, %dma_start3A_208] : memref<5x128x64xf32, #tpu.memory_space<vmem>> -> memref<1x128x64xf32, #tpu.memory_space<vmem>>
    %dma_start3A_210 = tpu.memref_squeeze %dma_start3A_209 : memref<1x128x64xf32, #tpu.memory_space<vmem>> -> memref<128x64xf32, #tpu.memory_space<vmem>>
    %dma_start3A_211 = arith.constant 0 : i32
    %dma_start3A_212 = tpu.memref_slice %arg5[%dma_start3A_205, %dma_start3A_211] : memref<200x128xi32, #tpu.memory_space<vmem>> -> memref<1x128xi32, #tpu.memory_space<vmem>>
    %dma_start3A_213 = tpu.memref_squeeze %dma_start3A_212 : memref<1x128xi32, #tpu.memory_space<vmem>> -> memref<128xi32, #tpu.memory_space<vmem>>
    %dma_start3A_214 = arith.constant 0 : i32
    %dma_start3A_215 = arith.constant 0 : i32
    %dma_start3A_216 = tpu.memref_slice %arg3[%dma_start3A_214, %dma_start3A_215] : memref<1000000x64xf32, #tpu.memory_space<hbm>> -> memref<1000000x64xf32, #tpu.memory_space<hbm>>
    tpu.enqueue_indirect_dma source(%dma_start3A_216 : memref<1000000x64xf32, #tpu.memory_space<hbm>>) target(%dma_start3A_210 : memref<128x64xf32, #tpu.memory_space<vmem>>) offsets(%dma_start3A_213 : memref<128xi32, #tpu.memory_space<vmem>>) semaphore(%arg8 : memref<!tpu.dma_semaphore, #tpu.memory_space<semaphore_mem>>)
    %scan3A = arith.constant 0 : i32
    %scan3A_217 = arith.constant 1 : i32
    %scan3A_218 = arith.constant 18 : i32
    %scan3A_219 = arith.addi %scan3A_217, %scan3A_218 : i32
    %scan3A_220 = arith.constant 1 : i32
    scf.for %scan3A_334 = %scan3A_217 to %scan3A_219 step %scan3A_220  : i32 {
      %mul3A_335 = arith.constant 2 : i32
      %mul3A_336 = arith.muli %mul3A_335, %scan3A_334 : i32
      %dma_wait3A_337 = arith.constant 0 : i32
      %dma_wait3A_338 = arith.constant 0 : i32
      %dma_wait3A_339 = arith.constant 0 : i32
      %dma_wait3A_340 = tpu.memref_slice %arg4[%dma_wait3A_337, %dma_wait3A_338, %dma_wait3A_339] : memref<200x4096x64xf32, #tpu.memory_space<hbm>> -> memref<5x128x64xf32, #tpu.memory_space<hbm>>
      %dma_wait3A_341 = arith.constant 0 : i32
      %dma_wait3A_342 = arith.constant 0 : i32
      %dma_wait3A_343 = arith.constant 0 : i32
      %dma_wait3A_344 = tpu.memref_slice %arg4[%dma_wait3A_341, %dma_wait3A_342, %dma_wait3A_343] : memref<200x4096x64xf32, #tpu.memory_space<hbm>> -> memref<5x128x64xf32, #tpu.memory_space<hbm>>
      tpu.wait_dma2 semaphore(%arg8 : memref<!tpu.dma_semaphore, #tpu.memory_space<semaphore_mem>>) src(%dma_wait3A_344 : memref<5x128x64xf32, #tpu.memory_space<hbm>>) dst(%arg6 : memref<5x128x64xf32, #tpu.memory_space<vmem>>)
      %mul3A_345 = arith.constant 5 : i32
      %mul3A_346 = arith.muli %mul3A_336, %mul3A_345 : i32
      %dma_start3A_347 = arith.constant 0 : i32
      %dma_start3A_348 = tpu.memref_slice %arg4[%mul3A_346, %multiple_of3A, %dma_start3A_347] : memref<200x4096x64xf32, #tpu.memory_space<hbm>> -> memref<5x128x64xf32, #tpu.memory_space<hbm>>
      %dma_start3A_349 = arith.constant 0 : i32
      %dma_start3A_350 = tpu.memref_slice %arg4[%mul3A_346, %multiple_of3A, %dma_start3A_349] : memref<200x4096x64xf32, #tpu.memory_space<hbm>> -> memref<5x128x64xf32, #tpu.memory_space<hbm>>
      tpu.enqueue_dma source(%arg6 : memref<5x128x64xf32, #tpu.memory_space<vmem>>) target(%dma_start3A_350 : memref<5x128x64xf32, #tpu.memory_space<hbm>>) target_semaphore(%arg10 : memref<!tpu.dma_semaphore, #tpu.memory_space<semaphore_mem>>)
      %dma_wait3A_351 = arith.constant 0 : i32
      %dma_wait3A_352 = arith.constant 0 : i32
      %dma_wait3A_353 = arith.constant 0 : i32
      %dma_wait3A_354 = tpu.memref_slice %arg4[%dma_wait3A_351, %dma_wait3A_352, %dma_wait3A_353] : memref<200x4096x64xf32, #tpu.memory_space<hbm>> -> memref<5x128x64xf32, #tpu.memory_space<hbm>>
      %dma_wait3A_355 = arith.constant 0 : i32
      %dma_wait3A_356 = arith.constant 0 : i32
      %dma_wait3A_357 = arith.constant 0 : i32
      %dma_wait3A_358 = tpu.memref_slice %arg4[%dma_wait3A_355, %dma_wait3A_356, %dma_wait3A_357] : memref<200x4096x64xf32, #tpu.memory_space<hbm>> -> memref<5x128x64xf32, #tpu.memory_space<hbm>>
      tpu.wait_dma2 semaphore(%arg11 : memref<!tpu.dma_semaphore, #tpu.memory_space<semaphore_mem>>) src(%arg7 : memref<5x128x64xf32, #tpu.memory_space<vmem>>) dst(%dma_wait3A_358 : memref<5x128x64xf32, #tpu.memory_space<hbm>>)
      %add3A_359 = arith.constant 1 : i32
      %add3A_360 = arith.addi %mul3A_336, %add3A_359 : i32
      %mul3A_361 = arith.constant 5 : i32
      %mul3A_362 = arith.muli %add3A_360, %mul3A_361 : i32
      %add3A_363 = arith.constant 0 : i32
      %add3A_364 = arith.addi %mul3A_362, %add3A_363 : i32
      %dma_start3A_365 = arith.constant 0 : i32
      %dma_start3A_366 = arith.constant 0 : i32
      %dma_start3A_367 = arith.constant 0 : i32
      %dma_start3A_368 = tpu.memref_slice %arg7[%dma_start3A_365, %dma_start3A_366, %dma_start3A_367] : memref<5x128x64xf32, #tpu.memory_space<vmem>> -> memref<1x128x64xf32, #tpu.memory_space<vmem>>
      %dma_start3A_369 = tpu.memref_squeeze %dma_start3A_368 : memref<1x128x64xf32, #tpu.memory_space<vmem>> -> memref<128x64xf32, #tpu.memory_space<vmem>>
      %dma_start3A_370 = arith.constant 0 : i32
      %dma_start3A_371 = tpu.memref_slice %arg5[%add3A_364, %dma_start3A_370] : memref<200x128xi32, #tpu.memory_space<vmem>> -> memref<1x128xi32, #tpu.memory_space<vmem>>
      %dma_start3A_372 = tpu.memref_squeeze %dma_start3A_371 : memref<1x128xi32, #tpu.memory_space<vmem>> -> memref<128xi32, #tpu.memory_space<vmem>>
      %dma_start3A_373 = arith.constant 0 : i32
      %dma_start3A_374 = arith.constant 0 : i32
      %dma_start3A_375 = tpu.memref_slice %arg3[%dma_start3A_373, %dma_start3A_374] : memref<1000000x64xf32, #tpu.memory_space<hbm>> -> memref<1000000x64xf32, #tpu.memory_space<hbm>>
      tpu.enqueue_indirect_dma source(%dma_start3A_375 : memref<1000000x64xf32, #tpu.memory_space<hbm>>) target(%dma_start3A_369 : memref<128x64xf32, #tpu.memory_space<vmem>>) offsets(%dma_start3A_372 : memref<128xi32, #tpu.memory_space<vmem>>) semaphore(%arg9 : memref<!tpu.dma_semaphore, #tpu.memory_space<semaphore_mem>>)
      %mul3A_376 = arith.constant 5 : i32
      %mul3A_377 = arith.muli %add3A_360, %mul3A_376 : i32
      %add3A_378 = arith.constant 1 : i32
      %add3A_379 = arith.addi %mul3A_377, %add3A_378 : i32
      %dma_start3A_380 = arith.constant 1 : i32
      %dma_start3A_381 = arith.constant 0 : i32
      %dma_start3A_382 = arith.constant 0 : i32
      %dma_start3A_383 = tpu.memref_slice %arg7[%dma_start3A_380, %dma_start3A_381, %dma_start3A_382] : memref<5x128x64xf32, #tpu.memory_space<vmem>> -> memref<1x128x64xf32, #tpu.memory_space<vmem>>
      %dma_start3A_384 = tpu.memref_squeeze %dma_start3A_383 : memref<1x128x64xf32, #tpu.memory_space<vmem>> -> memref<128x64xf32, #tpu.memory_space<vmem>>
      %dma_start3A_385 = arith.constant 0 : i32
      %dma_start3A_386 = tpu.memref_slice %arg5[%add3A_379, %dma_start3A_385] : memref<200x128xi32, #tpu.memory_space<vmem>> -> memref<1x128xi32, #tpu.memory_space<vmem>>
      %dma_start3A_387 = tpu.memref_squeeze %dma_start3A_386 : memref<1x128xi32, #tpu.memory_space<vmem>> -> memref<128xi32, #tpu.memory_space<vmem>>
      %dma_start3A_388 = arith.constant 0 : i32
      %dma_start3A_389 = arith.constant 0 : i32
      %dma_start3A_390 = tpu.memref_slice %arg3[%dma_start3A_388, %dma_start3A_389] : memref<1000000x64xf32, #tpu.memory_space<hbm>> -> memref<1000000x64xf32, #tpu.memory_space<hbm>>
      tpu.enqueue_indirect_dma source(%dma_start3A_390 : memref<1000000x64xf32, #tpu.memory_space<hbm>>) target(%dma_start3A_384 : memref<128x64xf32, #tpu.memory_space<vmem>>) offsets(%dma_start3A_387 : memref<128xi32, #tpu.memory_space<vmem>>) semaphore(%arg9 : memref<!tpu.dma_semaphore, #tpu.memory_space<semaphore_mem>>)
      %mul3A_391 = arith.constant 5 : i32
      %mul3A_392 = arith.muli %add3A_360, %mul3A_391 : i32
      %add3A_393 = arith.constant 2 : i32
      %add3A_394 = arith.addi %mul3A_392, %add3A_393 : i32
      %dma_start3A_395 = arith.constant 2 : i32
      %dma_start3A_396 = arith.constant 0 : i32
      %dma_start3A_397 = arith.constant 0 : i32
      %dma_start3A_398 = tpu.memref_slice %arg7[%dma_start3A_395, %dma_start3A_396, %dma_start3A_397] : memref<5x128x64xf32, #tpu.memory_space<vmem>> -> memref<1x128x64xf32, #tpu.memory_space<vmem>>
      %dma_start3A_399 = tpu.memref_squeeze %dma_start3A_398 : memref<1x128x64xf32, #tpu.memory_space<vmem>> -> memref<128x64xf32, #tpu.memory_space<vmem>>
      %dma_start3A_400 = arith.constant 0 : i32
      %dma_start3A_401 = tpu.memref_slice %arg5[%add3A_394, %dma_start3A_400] : memref<200x128xi32, #tpu.memory_space<vmem>> -> memref<1x128xi32, #tpu.memory_space<vmem>>
      %dma_start3A_402 = tpu.memref_squeeze %dma_start3A_401 : memref<1x128xi32, #tpu.memory_space<vmem>> -> memref<128xi32, #tpu.memory_space<vmem>>
      %dma_start3A_403 = arith.constant 0 : i32
      %dma_start3A_404 = arith.constant 0 : i32
      %dma_start3A_405 = tpu.memref_slice %arg3[%dma_start3A_403, %dma_start3A_404] : memref<1000000x64xf32, #tpu.memory_space<hbm>> -> memref<1000000x64xf32, #tpu.memory_space<hbm>>
      tpu.enqueue_indirect_dma source(%dma_start3A_405 : memref<1000000x64xf32, #tpu.memory_space<hbm>>) target(%dma_start3A_399 : memref<128x64xf32, #tpu.memory_space<vmem>>) offsets(%dma_start3A_402 : memref<128xi32, #tpu.memory_space<vmem>>) semaphore(%arg9 : memref<!tpu.dma_semaphore, #tpu.memory_space<semaphore_mem>>)
      %mul3A_406 = arith.constant 5 : i32
      %mul3A_407 = arith.muli %add3A_360, %mul3A_406 : i32
      %add3A_408 = arith.constant 3 : i32
      %add3A_409 = arith.addi %mul3A_407, %add3A_408 : i32
      %dma_start3A_410 = arith.constant 3 : i32
      %dma_start3A_411 = arith.constant 0 : i32
      %dma_start3A_412 = arith.constant 0 : i32
      %dma_start3A_413 = tpu.memref_slice %arg7[%dma_start3A_410, %dma_start3A_411, %dma_start3A_412] : memref<5x128x64xf32, #tpu.memory_space<vmem>> -> memref<1x128x64xf32, #tpu.memory_space<vmem>>
      %dma_start3A_414 = tpu.memref_squeeze %dma_start3A_413 : memref<1x128x64xf32, #tpu.memory_space<vmem>> -> memref<128x64xf32, #tpu.memory_space<vmem>>
      %dma_start3A_415 = arith.constant 0 : i32
      %dma_start3A_416 = tpu.memref_slice %arg5[%add3A_409, %dma_start3A_415] : memref<200x128xi32, #tpu.memory_space<vmem>> -> memref<1x128xi32, #tpu.memory_space<vmem>>
      %dma_start3A_417 = tpu.memref_squeeze %dma_start3A_416 : memref<1x128xi32, #tpu.memory_space<vmem>> -> memref<128xi32, #tpu.memory_space<vmem>>
      %dma_start3A_418 = arith.constant 0 : i32
      %dma_start3A_419 = arith.constant 0 : i32
      %dma_start3A_420 = tpu.memref_slice %arg3[%dma_start3A_418, %dma_start3A_419] : memref<1000000x64xf32, #tpu.memory_space<hbm>> -> memref<1000000x64xf32, #tpu.memory_space<hbm>>
      tpu.enqueue_indirect_dma source(%dma_start3A_420 : memref<1000000x64xf32, #tpu.memory_space<hbm>>) target(%dma_start3A_414 : memref<128x64xf32, #tpu.memory_space<vmem>>) offsets(%dma_start3A_417 : memref<128xi32, #tpu.memory_space<vmem>>) semaphore(%arg9 : memref<!tpu.dma_semaphore, #tpu.memory_space<semaphore_mem>>)
      %mul3A_421 = arith.constant 5 : i32
      %mul3A_422 = arith.muli %add3A_360, %mul3A_421 : i32
      %add3A_423 = arith.constant 4 : i32
      %add3A_424 = arith.addi %mul3A_422, %add3A_423 : i32
      %dma_start3A_425 = arith.constant 4 : i32
      %dma_start3A_426 = arith.constant 0 : i32
      %dma_start3A_427 = arith.constant 0 : i32
      %dma_start3A_428 = tpu.memref_slice %arg7[%dma_start3A_425, %dma_start3A_426, %dma_start3A_427] : memref<5x128x64xf32, #tpu.memory_space<vmem>> -> memref<1x128x64xf32, #tpu.memory_space<vmem>>
      %dma_start3A_429 = tpu.memref_squeeze %dma_start3A_428 : memref<1x128x64xf32, #tpu.memory_space<vmem>> -> memref<128x64xf32, #tpu.memory_space<vmem>>
      %dma_start3A_430 = arith.constant 0 : i32
      %dma_start3A_431 = tpu.memref_slice %arg5[%add3A_424, %dma_start3A_430] : memref<200x128xi32, #tpu.memory_space<vmem>> -> memref<1x128xi32, #tpu.memory_space<vmem>>
      %dma_start3A_432 = tpu.memref_squeeze %dma_start3A_431 : memref<1x128xi32, #tpu.memory_space<vmem>> -> memref<128xi32, #tpu.memory_space<vmem>>
      %dma_start3A_433 = arith.constant 0 : i32
      %dma_start3A_434 = arith.constant 0 : i32
      %dma_start3A_435 = tpu.memref_slice %arg3[%dma_start3A_433, %dma_start3A_434] : memref<1000000x64xf32, #tpu.memory_space<hbm>> -> memref<1000000x64xf32, #tpu.memory_space<hbm>>
      tpu.enqueue_indirect_dma source(%dma_start3A_435 : memref<1000000x64xf32, #tpu.memory_space<hbm>>) target(%dma_start3A_429 : memref<128x64xf32, #tpu.memory_space<vmem>>) offsets(%dma_start3A_432 : memref<128xi32, #tpu.memory_space<vmem>>) semaphore(%arg9 : memref<!tpu.dma_semaphore, #tpu.memory_space<semaphore_mem>>)
      %dma_wait3A_436 = arith.constant 0 : i32
      %dma_wait3A_437 = arith.constant 0 : i32
      %dma_wait3A_438 = arith.constant 0 : i32
      %dma_wait3A_439 = tpu.memref_slice %arg4[%dma_wait3A_436, %dma_wait3A_437, %dma_wait3A_438] : memref<200x4096x64xf32, #tpu.memory_space<hbm>> -> memref<5x128x64xf32, #tpu.memory_space<hbm>>
      %dma_wait3A_440 = arith.constant 0 : i32
      %dma_wait3A_441 = arith.constant 0 : i32
      %dma_wait3A_442 = arith.constant 0 : i32
      %dma_wait3A_443 = tpu.memref_slice %arg4[%dma_wait3A_440, %dma_wait3A_441, %dma_wait3A_442] : memref<200x4096x64xf32, #tpu.memory_space<hbm>> -> memref<5x128x64xf32, #tpu.memory_space<hbm>>
      tpu.wait_dma2 semaphore(%arg9 : memref<!tpu.dma_semaphore, #tpu.memory_space<semaphore_mem>>) src(%dma_wait3A_443 : memref<5x128x64xf32, #tpu.memory_space<hbm>>) dst(%arg7 : memref<5x128x64xf32, #tpu.memory_space<vmem>>)
      %add3A_444 = arith.constant 1 : i32
      %add3A_445 = arith.addi %mul3A_336, %add3A_444 : i32
      %mul3A_446 = arith.constant 5 : i32
      %mul3A_447 = arith.muli %add3A_445, %mul3A_446 : i32
      %dma_start3A_448 = arith.constant 0 : i32
      %dma_start3A_449 = tpu.memref_slice %arg4[%mul3A_447, %multiple_of3A, %dma_start3A_448] : memref<200x4096x64xf32, #tpu.memory_space<hbm>> -> memref<5x128x64xf32, #tpu.memory_space<hbm>>
      %dma_start3A_450 = arith.constant 0 : i32
      %dma_start3A_451 = tpu.memref_slice %arg4[%mul3A_447, %multiple_of3A, %dma_start3A_450] : memref<200x4096x64xf32, #tpu.memory_space<hbm>> -> memref<5x128x64xf32, #tpu.memory_space<hbm>>
      tpu.enqueue_dma source(%arg7 : memref<5x128x64xf32, #tpu.memory_space<vmem>>) target(%dma_start3A_451 : memref<5x128x64xf32, #tpu.memory_space<hbm>>) target_semaphore(%arg11 : memref<!tpu.dma_semaphore, #tpu.memory_space<semaphore_mem>>)
      %dma_wait3A_452 = arith.constant 0 : i32
      %dma_wait3A_453 = arith.constant 0 : i32
      %dma_wait3A_454 = arith.constant 0 : i32
      %dma_wait3A_455 = tpu.memref_slice %arg4[%dma_wait3A_452, %dma_wait3A_453, %dma_wait3A_454] : memref<200x4096x64xf32, #tpu.memory_space<hbm>> -> memref<5x128x64xf32, #tpu.memory_space<hbm>>
      %dma_wait3A_456 = arith.constant 0 : i32
      %dma_wait3A_457 = arith.constant 0 : i32
      %dma_wait3A_458 = arith.constant 0 : i32
      %dma_wait3A_459 = tpu.memref_slice %arg4[%dma_wait3A_456, %dma_wait3A_457, %dma_wait3A_458] : memref<200x4096x64xf32, #tpu.memory_space<hbm>> -> memref<5x128x64xf32, #tpu.memory_space<hbm>>
      tpu.wait_dma2 semaphore(%arg10 : memref<!tpu.dma_semaphore, #tpu.memory_space<semaphore_mem>>) src(%arg6 : memref<5x128x64xf32, #tpu.memory_space<vmem>>) dst(%dma_wait3A_459 : memref<5x128x64xf32, #tpu.memory_space<hbm>>)
      %add3A_460 = arith.constant 2 : i32
      %add3A_461 = arith.addi %mul3A_336, %add3A_460 : i32
      %mul3A_462 = arith.constant 5 : i32
      %mul3A_463 = arith.muli %add3A_461, %mul3A_462 : i32
      %add3A_464 = arith.constant 0 : i32
      %add3A_465 = arith.addi %mul3A_463, %add3A_464 : i32
      %dma_start3A_466 = arith.constant 0 : i32
      %dma_start3A_467 = arith.constant 0 : i32
      %dma_start3A_468 = arith.constant 0 : i32
      %dma_start3A_469 = tpu.memref_slice %arg6[%dma_start3A_466, %dma_start3A_467, %dma_start3A_468] : memref<5x128x64xf32, #tpu.memory_space<vmem>> -> memref<1x128x64xf32, #tpu.memory_space<vmem>>
      %dma_start3A_470 = tpu.memref_squeeze %dma_start3A_469 : memref<1x128x64xf32, #tpu.memory_space<vmem>> -> memref<128x64xf32, #tpu.memory_space<vmem>>
      %dma_start3A_471 = arith.constant 0 : i32
      %dma_start3A_472 = tpu.memref_slice %arg5[%add3A_465, %dma_start3A_471] : memref<200x128xi32, #tpu.memory_space<vmem>> -> memref<1x128xi32, #tpu.memory_space<vmem>>
      %dma_start3A_473 = tpu.memref_squeeze %dma_start3A_472 : memref<1x128xi32, #tpu.memory_space<vmem>> -> memref<128xi32, #tpu.memory_space<vmem>>
      %dma_start3A_474 = arith.constant 0 : i32
      %dma_start3A_475 = arith.constant 0 : i32
      %dma_start3A_476 = tpu.memref_slice %arg3[%dma_start3A_474, %dma_start3A_475] : memref<1000000x64xf32, #tpu.memory_space<hbm>> -> memref<1000000x64xf32, #tpu.memory_space<hbm>>
      tpu.enqueue_indirect_dma source(%dma_start3A_476 : memref<1000000x64xf32, #tpu.memory_space<hbm>>) target(%dma_start3A_470 : memref<128x64xf32, #tpu.memory_space<vmem>>) offsets(%dma_start3A_473 : memref<128xi32, #tpu.memory_space<vmem>>) semaphore(%arg8 : memref<!tpu.dma_semaphore, #tpu.memory_space<semaphore_mem>>)
      %mul3A_477 = arith.constant 5 : i32
      %mul3A_478 = arith.muli %add3A_461, %mul3A_477 : i32
      %add3A_479 = arith.constant 1 : i32
      %add3A_480 = arith.addi %mul3A_478, %add3A_479 : i32
      %dma_start3A_481 = arith.constant 1 : i32
      %dma_start3A_482 = arith.constant 0 : i32
      %dma_start3A_483 = arith.constant 0 : i32
      %dma_start3A_484 = tpu.memref_slice %arg6[%dma_start3A_481, %dma_start3A_482, %dma_start3A_483] : memref<5x128x64xf32, #tpu.memory_space<vmem>> -> memref<1x128x64xf32, #tpu.memory_space<vmem>>
      %dma_start3A_485 = tpu.memref_squeeze %dma_start3A_484 : memref<1x128x64xf32, #tpu.memory_space<vmem>> -> memref<128x64xf32, #tpu.memory_space<vmem>>
      %dma_start3A_486 = arith.constant 0 : i32
      %dma_start3A_487 = tpu.memref_slice %arg5[%add3A_480, %dma_start3A_486] : memref<200x128xi32, #tpu.memory_space<vmem>> -> memref<1x128xi32, #tpu.memory_space<vmem>>
      %dma_start3A_488 = tpu.memref_squeeze %dma_start3A_487 : memref<1x128xi32, #tpu.memory_space<vmem>> -> memref<128xi32, #tpu.memory_space<vmem>>
      %dma_start3A_489 = arith.constant 0 : i32
      %dma_start3A_490 = arith.constant 0 : i32
      %dma_start3A_491 = tpu.memref_slice %arg3[%dma_start3A_489, %dma_start3A_490] : memref<1000000x64xf32, #tpu.memory_space<hbm>> -> memref<1000000x64xf32, #tpu.memory_space<hbm>>
      tpu.enqueue_indirect_dma source(%dma_start3A_491 : memref<1000000x64xf32, #tpu.memory_space<hbm>>) target(%dma_start3A_485 : memref<128x64xf32, #tpu.memory_space<vmem>>) offsets(%dma_start3A_488 : memref<128xi32, #tpu.memory_space<vmem>>) semaphore(%arg8 : memref<!tpu.dma_semaphore, #tpu.memory_space<semaphore_mem>>)
      %mul3A_492 = arith.constant 5 : i32
      %mul3A_493 = arith.muli %add3A_461, %mul3A_492 : i32
      %add3A_494 = arith.constant 2 : i32
      %add3A_495 = arith.addi %mul3A_493, %add3A_494 : i32
      %dma_start3A_496 = arith.constant 2 : i32
      %dma_start3A_497 = arith.constant 0 : i32
      %dma_start3A_498 = arith.constant 0 : i32
      %dma_start3A_499 = tpu.memref_slice %arg6[%dma_start3A_496, %dma_start3A_497, %dma_start3A_498] : memref<5x128x64xf32, #tpu.memory_space<vmem>> -> memref<1x128x64xf32, #tpu.memory_space<vmem>>
      %dma_start3A_500 = tpu.memref_squeeze %dma_start3A_499 : memref<1x128x64xf32, #tpu.memory_space<vmem>> -> memref<128x64xf32, #tpu.memory_space<vmem>>
      %dma_start3A_501 = arith.constant 0 : i32
      %dma_start3A_502 = tpu.memref_slice %arg5[%add3A_495, %dma_start3A_501] : memref<200x128xi32, #tpu.memory_space<vmem>> -> memref<1x128xi32, #tpu.memory_space<vmem>>
      %dma_start3A_503 = tpu.memref_squeeze %dma_start3A_502 : memref<1x128xi32, #tpu.memory_space<vmem>> -> memref<128xi32, #tpu.memory_space<vmem>>
      %dma_start3A_504 = arith.constant 0 : i32
      %dma_start3A_505 = arith.constant 0 : i32
      %dma_start3A_506 = tpu.memref_slice %arg3[%dma_start3A_504, %dma_start3A_505] : memref<1000000x64xf32, #tpu.memory_space<hbm>> -> memref<1000000x64xf32, #tpu.memory_space<hbm>>
      tpu.enqueue_indirect_dma source(%dma_start3A_506 : memref<1000000x64xf32, #tpu.memory_space<hbm>>) target(%dma_start3A_500 : memref<128x64xf32, #tpu.memory_space<vmem>>) offsets(%dma_start3A_503 : memref<128xi32, #tpu.memory_space<vmem>>) semaphore(%arg8 : memref<!tpu.dma_semaphore, #tpu.memory_space<semaphore_mem>>)
      %mul3A_507 = arith.constant 5 : i32
      %mul3A_508 = arith.muli %add3A_461, %mul3A_507 : i32
      %add3A_509 = arith.constant 3 : i32
      %add3A_510 = arith.addi %mul3A_508, %add3A_509 : i32
      %dma_start3A_511 = arith.constant 3 : i32
      %dma_start3A_512 = arith.constant 0 : i32
      %dma_start3A_513 = arith.constant 0 : i32
      %dma_start3A_514 = tpu.memref_slice %arg6[%dma_start3A_511, %dma_start3A_512, %dma_start3A_513] : memref<5x128x64xf32, #tpu.memory_space<vmem>> -> memref<1x128x64xf32, #tpu.memory_space<vmem>>
      %dma_start3A_515 = tpu.memref_squeeze %dma_start3A_514 : memref<1x128x64xf32, #tpu.memory_space<vmem>> -> memref<128x64xf32, #tpu.memory_space<vmem>>
      %dma_start3A_516 = arith.constant 0 : i32
      %dma_start3A_517 = tpu.memref_slice %arg5[%add3A_510, %dma_start3A_516] : memref<200x128xi32, #tpu.memory_space<vmem>> -> memref<1x128xi32, #tpu.memory_space<vmem>>
      %dma_start3A_518 = tpu.memref_squeeze %dma_start3A_517 : memref<1x128xi32, #tpu.memory_space<vmem>> -> memref<128xi32, #tpu.memory_space<vmem>>
      %dma_start3A_519 = arith.constant 0 : i32
      %dma_start3A_520 = arith.constant 0 : i32
      %dma_start3A_521 = tpu.memref_slice %arg3[%dma_start3A_519, %dma_start3A_520] : memref<1000000x64xf32, #tpu.memory_space<hbm>> -> memref<1000000x64xf32, #tpu.memory_space<hbm>>
      tpu.enqueue_indirect_dma source(%dma_start3A_521 : memref<1000000x64xf32, #tpu.memory_space<hbm>>) target(%dma_start3A_515 : memref<128x64xf32, #tpu.memory_space<vmem>>) offsets(%dma_start3A_518 : memref<128xi32, #tpu.memory_space<vmem>>) semaphore(%arg8 : memref<!tpu.dma_semaphore, #tpu.memory_space<semaphore_mem>>)
      %mul3A_522 = arith.constant 5 : i32
      %mul3A_523 = arith.muli %add3A_461, %mul3A_522 : i32
      %add3A_524 = arith.constant 4 : i32
      %add3A_525 = arith.addi %mul3A_523, %add3A_524 : i32
      %dma_start3A_526 = arith.constant 4 : i32
      %dma_start3A_527 = arith.constant 0 : i32
      %dma_start3A_528 = arith.constant 0 : i32
      %dma_start3A_529 = tpu.memref_slice %arg6[%dma_start3A_526, %dma_start3A_527, %dma_start3A_528] : memref<5x128x64xf32, #tpu.memory_space<vmem>> -> memref<1x128x64xf32, #tpu.memory_space<vmem>>
      %dma_start3A_530 = tpu.memref_squeeze %dma_start3A_529 : memref<1x128x64xf32, #tpu.memory_space<vmem>> -> memref<128x64xf32, #tpu.memory_space<vmem>>
      %dma_start3A_531 = arith.constant 0 : i32
      %dma_start3A_532 = tpu.memref_slice %arg5[%add3A_525, %dma_start3A_531] : memref<200x128xi32, #tpu.memory_space<vmem>> -> memref<1x128xi32, #tpu.memory_space<vmem>>
      %dma_start3A_533 = tpu.memref_squeeze %dma_start3A_532 : memref<1x128xi32, #tpu.memory_space<vmem>> -> memref<128xi32, #tpu.memory_space<vmem>>
      %dma_start3A_534 = arith.constant 0 : i32
      %dma_start3A_535 = arith.constant 0 : i32
      %dma_start3A_536 = tpu.memref_slice %arg3[%dma_start3A_534, %dma_start3A_535] : memref<1000000x64xf32, #tpu.memory_space<hbm>> -> memref<1000000x64xf32, #tpu.memory_space<hbm>>
      tpu.enqueue_indirect_dma source(%dma_start3A_536 : memref<1000000x64xf32, #tpu.memory_space<hbm>>) target(%dma_start3A_530 : memref<128x64xf32, #tpu.memory_space<vmem>>) offsets(%dma_start3A_533 : memref<128xi32, #tpu.memory_space<vmem>>) semaphore(%arg8 : memref<!tpu.dma_semaphore, #tpu.memory_space<semaphore_mem>>)
    }
    %scan3A_221 = arith.constant 18 : i32
    %dma_wait3A_222 = arith.constant 0 : i32
    %dma_wait3A_223 = arith.constant 0 : i32
    %dma_wait3A_224 = arith.constant 0 : i32
    %dma_wait3A_225 = tpu.memref_slice %arg4[%dma_wait3A_222, %dma_wait3A_223, %dma_wait3A_224] : memref<200x4096x64xf32, #tpu.memory_space<hbm>> -> memref<5x128x64xf32, #tpu.memory_space<hbm>>
    %dma_wait3A_226 = arith.constant 0 : i32
    %dma_wait3A_227 = arith.constant 0 : i32
    %dma_wait3A_228 = arith.constant 0 : i32
    %dma_wait3A_229 = tpu.memref_slice %arg4[%dma_wait3A_226, %dma_wait3A_227, %dma_wait3A_228] : memref<200x4096x64xf32, #tpu.memory_space<hbm>> -> memref<5x128x64xf32, #tpu.memory_space<hbm>>
    tpu.wait_dma2 semaphore(%arg8 : memref<!tpu.dma_semaphore, #tpu.memory_space<semaphore_mem>>) src(%dma_wait3A_229 : memref<5x128x64xf32, #tpu.memory_space<hbm>>) dst(%arg6 : memref<5x128x64xf32, #tpu.memory_space<vmem>>)
    %dma_start3A_230 = arith.constant 190 : i32
    %dma_start3A_231 = arith.constant 0 : i32
    %dma_start3A_232 = tpu.memref_slice %arg4[%dma_start3A_230, %multiple_of3A, %dma_start3A_231] : memref<200x4096x64xf32, #tpu.memory_space<hbm>> -> memref<5x128x64xf32, #tpu.memory_space<hbm>>
    %dma_start3A_233 = arith.constant 190 : i32
    %dma_start3A_234 = arith.constant 0 : i32
    %dma_start3A_235 = tpu.memref_slice %arg4[%dma_start3A_233, %multiple_of3A, %dma_start3A_234] : memref<200x4096x64xf32, #tpu.memory_space<hbm>> -> memref<5x128x64xf32, #tpu.memory_space<hbm>>
    tpu.enqueue_dma source(%arg6 : memref<5x128x64xf32, #tpu.memory_space<vmem>>) target(%dma_start3A_235 : memref<5x128x64xf32, #tpu.memory_space<hbm>>) target_semaphore(%arg10 : memref<!tpu.dma_semaphore, #tpu.memory_space<semaphore_mem>>)
    %dma_wait3A_236 = arith.constant 0 : i32
    %dma_wait3A_237 = arith.constant 0 : i32
    %dma_wait3A_238 = arith.constant 0 : i32
    %dma_wait3A_239 = tpu.memref_slice %arg4[%dma_wait3A_236, %dma_wait3A_237, %dma_wait3A_238] : memref<200x4096x64xf32, #tpu.memory_space<hbm>> -> memref<5x128x64xf32, #tpu.memory_space<hbm>>
    %dma_wait3A_240 = arith.constant 0 : i32
    %dma_wait3A_241 = arith.constant 0 : i32
    %dma_wait3A_242 = arith.constant 0 : i32
    %dma_wait3A_243 = tpu.memref_slice %arg4[%dma_wait3A_240, %dma_wait3A_241, %dma_wait3A_242] : memref<200x4096x64xf32, #tpu.memory_space<hbm>> -> memref<5x128x64xf32, #tpu.memory_space<hbm>>
    tpu.wait_dma2 semaphore(%arg11 : memref<!tpu.dma_semaphore, #tpu.memory_space<semaphore_mem>>) src(%arg7 : memref<5x128x64xf32, #tpu.memory_space<vmem>>) dst(%dma_wait3A_243 : memref<5x128x64xf32, #tpu.memory_space<hbm>>)
    %dma_start3A_244 = arith.constant 195 : i32
    %dma_start3A_245 = arith.constant 0 : i32
    %dma_start3A_246 = arith.constant 0 : i32
    %dma_start3A_247 = arith.constant 0 : i32
    %dma_start3A_248 = tpu.memref_slice %arg7[%dma_start3A_245, %dma_start3A_246, %dma_start3A_247] : memref<5x128x64xf32, #tpu.memory_space<vmem>> -> memref<1x128x64xf32, #tpu.memory_space<vmem>>
    %dma_start3A_249 = tpu.memref_squeeze %dma_start3A_248 : memref<1x128x64xf32, #tpu.memory_space<vmem>> -> memref<128x64xf32, #tpu.memory_space<vmem>>
    %dma_start3A_250 = arith.constant 0 : i32
    %dma_start3A_251 = tpu.memref_slice %arg5[%dma_start3A_244, %dma_start3A_250] : memref<200x128xi32, #tpu.memory_space<vmem>> -> memref<1x128xi32, #tpu.memory_space<vmem>>
    %dma_start3A_252 = tpu.memref_squeeze %dma_start3A_251 : memref<1x128xi32, #tpu.memory_space<vmem>> -> memref<128xi32, #tpu.memory_space<vmem>>
    %dma_start3A_253 = arith.constant 0 : i32
    %dma_start3A_254 = arith.constant 0 : i32
    %dma_start3A_255 = tpu.memref_slice %arg3[%dma_start3A_253, %dma_start3A_254] : memref<1000000x64xf32, #tpu.memory_space<hbm>> -> memref<1000000x64xf32, #tpu.memory_space<hbm>>
    tpu.enqueue_indirect_dma source(%dma_start3A_255 : memref<1000000x64xf32, #tpu.memory_space<hbm>>) target(%dma_start3A_249 : memref<128x64xf32, #tpu.memory_space<vmem>>) offsets(%dma_start3A_252 : memref<128xi32, #tpu.memory_space<vmem>>) semaphore(%arg9 : memref<!tpu.dma_semaphore, #tpu.memory_space<semaphore_mem>>)
    %dma_start3A_256 = arith.constant 196 : i32
    %dma_start3A_257 = arith.constant 1 : i32
    %dma_start3A_258 = arith.constant 0 : i32
    %dma_start3A_259 = arith.constant 0 : i32
    %dma_start3A_260 = tpu.memref_slice %arg7[%dma_start3A_257, %dma_start3A_258, %dma_start3A_259] : memref<5x128x64xf32, #tpu.memory_space<vmem>> -> memref<1x128x64xf32, #tpu.memory_space<vmem>>
    %dma_start3A_261 = tpu.memref_squeeze %dma_start3A_260 : memref<1x128x64xf32, #tpu.memory_space<vmem>> -> memref<128x64xf32, #tpu.memory_space<vmem>>
    %dma_start3A_262 = arith.constant 0 : i32
    %dma_start3A_263 = tpu.memref_slice %arg5[%dma_start3A_256, %dma_start3A_262] : memref<200x128xi32, #tpu.memory_space<vmem>> -> memref<1x128xi32, #tpu.memory_space<vmem>>
    %dma_start3A_264 = tpu.memref_squeeze %dma_start3A_263 : memref<1x128xi32, #tpu.memory_space<vmem>> -> memref<128xi32, #tpu.memory_space<vmem>>
    %dma_start3A_265 = arith.constant 0 : i32
    %dma_start3A_266 = arith.constant 0 : i32
    %dma_start3A_267 = tpu.memref_slice %arg3[%dma_start3A_265, %dma_start3A_266] : memref<1000000x64xf32, #tpu.memory_space<hbm>> -> memref<1000000x64xf32, #tpu.memory_space<hbm>>
    tpu.enqueue_indirect_dma source(%dma_start3A_267 : memref<1000000x64xf32, #tpu.memory_space<hbm>>) target(%dma_start3A_261 : memref<128x64xf32, #tpu.memory_space<vmem>>) offsets(%dma_start3A_264 : memref<128xi32, #tpu.memory_space<vmem>>) semaphore(%arg9 : memref<!tpu.dma_semaphore, #tpu.memory_space<semaphore_mem>>)
    %dma_start3A_268 = arith.constant 197 : i32
    %dma_start3A_269 = arith.constant 2 : i32
    %dma_start3A_270 = arith.constant 0 : i32
    %dma_start3A_271 = arith.constant 0 : i32
    %dma_start3A_272 = tpu.memref_slice %arg7[%dma_start3A_269, %dma_start3A_270, %dma_start3A_271] : memref<5x128x64xf32, #tpu.memory_space<vmem>> -> memref<1x128x64xf32, #tpu.memory_space<vmem>>
    %dma_start3A_273 = tpu.memref_squeeze %dma_start3A_272 : memref<1x128x64xf32, #tpu.memory_space<vmem>> -> memref<128x64xf32, #tpu.memory_space<vmem>>
    %dma_start3A_274 = arith.constant 0 : i32
    %dma_start3A_275 = tpu.memref_slice %arg5[%dma_start3A_268, %dma_start3A_274] : memref<200x128xi32, #tpu.memory_space<vmem>> -> memref<1x128xi32, #tpu.memory_space<vmem>>
    %dma_start3A_276 = tpu.memref_squeeze %dma_start3A_275 : memref<1x128xi32, #tpu.memory_space<vmem>> -> memref<128xi32, #tpu.memory_space<vmem>>
    %dma_start3A_277 = arith.constant 0 : i32
    %dma_start3A_278 = arith.constant 0 : i32
    %dma_start3A_279 = tpu.memref_slice %arg3[%dma_start3A_277, %dma_start3A_278] : memref<1000000x64xf32, #tpu.memory_space<hbm>> -> memref<1000000x64xf32, #tpu.memory_space<hbm>>
    tpu.enqueue_indirect_dma source(%dma_start3A_279 : memref<1000000x64xf32, #tpu.memory_space<hbm>>) target(%dma_start3A_273 : memref<128x64xf32, #tpu.memory_space<vmem>>) offsets(%dma_start3A_276 : memref<128xi32, #tpu.memory_space<vmem>>) semaphore(%arg9 : memref<!tpu.dma_semaphore, #tpu.memory_space<semaphore_mem>>)
    %dma_start3A_280 = arith.constant 198 : i32
    %dma_start3A_281 = arith.constant 3 : i32
    %dma_start3A_282 = arith.constant 0 : i32
    %dma_start3A_283 = arith.constant 0 : i32
    %dma_start3A_284 = tpu.memref_slice %arg7[%dma_start3A_281, %dma_start3A_282, %dma_start3A_283] : memref<5x128x64xf32, #tpu.memory_space<vmem>> -> memref<1x128x64xf32, #tpu.memory_space<vmem>>
    %dma_start3A_285 = tpu.memref_squeeze %dma_start3A_284 : memref<1x128x64xf32, #tpu.memory_space<vmem>> -> memref<128x64xf32, #tpu.memory_space<vmem>>
    %dma_start3A_286 = arith.constant 0 : i32
    %dma_start3A_287 = tpu.memref_slice %arg5[%dma_start3A_280, %dma_start3A_286] : memref<200x128xi32, #tpu.memory_space<vmem>> -> memref<1x128xi32, #tpu.memory_space<vmem>>
    %dma_start3A_288 = tpu.memref_squeeze %dma_start3A_287 : memref<1x128xi32, #tpu.memory_space<vmem>> -> memref<128xi32, #tpu.memory_space<vmem>>
    %dma_start3A_289 = arith.constant 0 : i32
    %dma_start3A_290 = arith.constant 0 : i32
    %dma_start3A_291 = tpu.memref_slice %arg3[%dma_start3A_289, %dma_start3A_290] : memref<1000000x64xf32, #tpu.memory_space<hbm>> -> memref<1000000x64xf32, #tpu.memory_space<hbm>>
    tpu.enqueue_indirect_dma source(%dma_start3A_291 : memref<1000000x64xf32, #tpu.memory_space<hbm>>) target(%dma_start3A_285 : memref<128x64xf32, #tpu.memory_space<vmem>>) offsets(%dma_start3A_288 : memref<128xi32, #tpu.memory_space<vmem>>) semaphore(%arg9 : memref<!tpu.dma_semaphore, #tpu.memory_space<semaphore_mem>>)
    %dma_start3A_292 = arith.constant 199 : i32
    %dma_start3A_293 = arith.constant 4 : i32
    %dma_start3A_294 = arith.constant 0 : i32
    %dma_start3A_295 = arith.constant 0 : i32
    %dma_start3A_296 = tpu.memref_slice %arg7[%dma_start3A_293, %dma_start3A_294, %dma_start3A_295] : memref<5x128x64xf32, #tpu.memory_space<vmem>> -> memref<1x128x64xf32, #tpu.memory_space<vmem>>
    %dma_start3A_297 = tpu.memref_squeeze %dma_start3A_296 : memref<1x128x64xf32, #tpu.memory_space<vmem>> -> memref<128x64xf32, #tpu.memory_space<vmem>>
    %dma_start3A_298 = arith.constant 0 : i32
    %dma_start3A_299 = tpu.memref_slice %arg5[%dma_start3A_292, %dma_start3A_298] : memref<200x128xi32, #tpu.memory_space<vmem>> -> memref<1x128xi32, #tpu.memory_space<vmem>>
    %dma_start3A_300 = tpu.memref_squeeze %dma_start3A_299 : memref<1x128xi32, #tpu.memory_space<vmem>> -> memref<128xi32, #tpu.memory_space<vmem>>
    %dma_start3A_301 = arith.constant 0 : i32
    %dma_start3A_302 = arith.constant 0 : i32
    %dma_start3A_303 = tpu.memref_slice %arg3[%dma_start3A_301, %dma_start3A_302] : memref<1000000x64xf32, #tpu.memory_space<hbm>> -> memref<1000000x64xf32, #tpu.memory_space<hbm>>
    tpu.enqueue_indirect_dma source(%dma_start3A_303 : memref<1000000x64xf32, #tpu.memory_space<hbm>>) target(%dma_start3A_297 : memref<128x64xf32, #tpu.memory_space<vmem>>) offsets(%dma_start3A_300 : memref<128xi32, #tpu.memory_space<vmem>>) semaphore(%arg9 : memref<!tpu.dma_semaphore, #tpu.memory_space<semaphore_mem>>)
    %dma_wait3A_304 = arith.constant 0 : i32
    %dma_wait3A_305 = arith.constant 0 : i32
    %dma_wait3A_306 = arith.constant 0 : i32
    %dma_wait3A_307 = tpu.memref_slice %arg4[%dma_wait3A_304, %dma_wait3A_305, %dma_wait3A_306] : memref<200x4096x64xf32, #tpu.memory_space<hbm>> -> memref<5x128x64xf32, #tpu.memory_space<hbm>>
    %dma_wait3A_308 = arith.constant 0 : i32
    %dma_wait3A_309 = arith.constant 0 : i32
    %dma_wait3A_310 = arith.constant 0 : i32
    %dma_wait3A_311 = tpu.memref_slice %arg4[%dma_wait3A_308, %dma_wait3A_309, %dma_wait3A_310] : memref<200x4096x64xf32, #tpu.memory_space<hbm>> -> memref<5x128x64xf32, #tpu.memory_space<hbm>>
    tpu.wait_dma2 semaphore(%arg9 : memref<!tpu.dma_semaphore, #tpu.memory_space<semaphore_mem>>) src(%dma_wait3A_311 : memref<5x128x64xf32, #tpu.memory_space<hbm>>) dst(%arg7 : memref<5x128x64xf32, #tpu.memory_space<vmem>>)
    %dma_start3A_312 = arith.constant 195 : i32
    %dma_start3A_313 = arith.constant 0 : i32
    %dma_start3A_314 = tpu.memref_slice %arg4[%dma_start3A_312, %multiple_of3A, %dma_start3A_313] : memref<200x4096x64xf32, #tpu.memory_space<hbm>> -> memref<5x128x64xf32, #tpu.memory_space<hbm>>
    %dma_start3A_315 = arith.constant 195 : i32
    %dma_start3A_316 = arith.constant 0 : i32
    %dma_start3A_317 = tpu.memref_slice %arg4[%dma_start3A_315, %multiple_of3A, %dma_start3A_316] : memref<200x4096x64xf32, #tpu.memory_space<hbm>> -> memref<5x128x64xf32, #tpu.memory_space<hbm>>
    tpu.enqueue_dma source(%arg7 : memref<5x128x64xf32, #tpu.memory_space<vmem>>) target(%dma_start3A_317 : memref<5x128x64xf32, #tpu.memory_space<hbm>>) target_semaphore(%arg11 : memref<!tpu.dma_semaphore, #tpu.memory_space<semaphore_mem>>)
    %dma_wait3A_318 = arith.constant 0 : i32
    %dma_wait3A_319 = arith.constant 0 : i32
    %dma_wait3A_320 = arith.constant 0 : i32
    %dma_wait3A_321 = tpu.memref_slice %arg4[%dma_wait3A_318, %dma_wait3A_319, %dma_wait3A_320] : memref<200x4096x64xf32, #tpu.memory_space<hbm>> -> memref<5x128x64xf32, #tpu.memory_space<hbm>>
    %dma_wait3A_322 = arith.constant 0 : i32
    %dma_wait3A_323 = arith.constant 0 : i32
    %dma_wait3A_324 = arith.constant 0 : i32
    %dma_wait3A_325 = tpu.memref_slice %arg4[%dma_wait3A_322, %dma_wait3A_323, %dma_wait3A_324] : memref<200x4096x64xf32, #tpu.memory_space<hbm>> -> memref<5x128x64xf32, #tpu.memory_space<hbm>>
    tpu.wait_dma2 semaphore(%arg10 : memref<!tpu.dma_semaphore, #tpu.memory_space<semaphore_mem>>) src(%arg6 : memref<5x128x64xf32, #tpu.memory_space<vmem>>) dst(%dma_wait3A_325 : memref<5x128x64xf32, #tpu.memory_space<hbm>>)
    %dma_wait3A_326 = arith.constant 0 : i32
    %dma_wait3A_327 = arith.constant 0 : i32
    %dma_wait3A_328 = arith.constant 0 : i32
    %dma_wait3A_329 = tpu.memref_slice %arg4[%dma_wait3A_326, %dma_wait3A_327, %dma_wait3A_328] : memref<200x4096x64xf32, #tpu.memory_space<hbm>> -> memref<5x128x64xf32, #tpu.memory_space<hbm>>
    %dma_wait3A_330 = arith.constant 0 : i32
    %dma_wait3A_331 = arith.constant 0 : i32
    %dma_wait3A_332 = arith.constant 0 : i32
    %dma_wait3A_333 = tpu.memref_slice %arg4[%dma_wait3A_330, %dma_wait3A_331, %dma_wait3A_332] : memref<200x4096x64xf32, #tpu.memory_space<hbm>> -> memref<5x128x64xf32, #tpu.memory_space<hbm>>
    tpu.wait_dma2 semaphore(%arg11 : memref<!tpu.dma_semaphore, #tpu.memory_space<semaphore_mem>>) src(%arg7 : memref<5x128x64xf32, #tpu.memory_space<vmem>>) dst(%dma_wait3A_333 : memref<5x128x64xf32, #tpu.memory_space<hbm>>)
    return
  }
}

</mosaic_0001>

<sc_bundles>
// kernel: kernel.3.cloned.1.call-start
scs
__scs_entry_jumppad:
0x0: {  	(pc) =	sbr.rel $0x88, $3  }
0x1: {  	(tag) =	ssettag $0x0;
	lr =	simm.s32 $0x1  }
0x2: {  	[smem:$0x3F9F] =	sst lr;
	_ =	strace $0xD0000000  }
0x3: {  	_ = 	snop  }
0x4: {  	_ = 	snop  }
0x5: {  	_ = 	snop  }
0x6: {  	_ = 	snop  }
0x7: {  	_ = 	snop  }
__scs_overlays_trampoline_lowered:
0x8: {  	[smem:$0x3FAE] =	sst s0  }
0x9: {  	[smem:$0x3FAF] =	sst s1  }
0xa: {  	[smem:$0x3FB0] =	sst s2  }
0xb: {  	[smem:$0x3FB1] =	sst s3  }
0xc: {  	[smem:$0x3FB2] =	sst s4  }
0xd: {  	[smem:$0x3FB3] =	sst s5  }
0xe: {  	[smem:$0x3FB4] =	sst s6  }
0xf: {  	[smem:$0x3FB5] =	sst s7  }
0x10: {  	[smem:$0x3FB6] =	sst s8  }
0x11: {  	[smem:$0x3FB7] =	sst s9;
	s0 =	simm.s32 @!p0 $0x0  }
0x12: {  	s1 =	sld [smem:$0x3F9D];
	s0 =	simm.s32 @p0 $0x1  }
0x13: {  	[smem:$0x3FB8] =	sst s0;
	s0 =	simm.s32 @!p1 $0x0  }
0x14: {  	s2 =	sld [smem:$0x3F9C];
	s0 =	simm.s32 @p1 $0x1  }
0x15: {  	[smem:$0x3FB9] =	sst s0;
	s0 =	simm.s32 @!p2 $0x0  }
0x16: {  	s3 =	sld [smem:$0x3FDB];
	s0 =	simm.s32 @p2 $0x1  }
0x17: {  	s4 =	simm.s32 $0x1BF5;
	[smem:$0x3FBB] =	sst s0  }
0x18: {  	s0 =	sld [smem:$0x3F9E];
	_ =	swait.ge [sflag:s4], $0x0  }
0x19: {  	s7 =	sld [smem:$0x3F9F]  }
0x1a: {  	s8 =	sadd.s32 $0xFFFFE003, lr  }
0x1b: {  	s9 =	sadd.s32 $0xFFFFFEF7, lr;
	s5 =	simm.s32 $0xFFFFFFFF;
	p2 =	slt.u32 s8, $0xFFFFF086  }
0x1c: {  	p1 =	slt.u32 s9, $0xF7A;
	s5 =	simm.s32 @!p2 $0x0  }
0x1d: {  	s5 =	simm.s32 @p1 $0x1;
	p0 =	seq.s32 s7, s2  }
0x1e: {  	s7 =	smul.u32 @!p0 $0xF7A, s2;
	p2 =	seq.s32 @!p0 s5, $0x0  }
0x1f: {  	s9 =	smul.u32 $0xF7A, s1;
	s8 =	simm.s32 @!p0 $0x1BF5;
	p2 =	por !p2, p0  }
0x20: {  	[sflag:s8] =	ssyncset.s32 @!p0 $0xFFFFF086;
	s6 =	sadd.s32 @!p0 s3, s7;
	s7 =	simm.s32 @!p0 $0x108  }
0x21: {  	s3 =	sadd.s32 s3, s9;
	s6 =	sadd.s32 @!p0 $0x88, s6;
	s7 =	simm.s32 @p2 $0x1082  }
0x22: {  	[simem:s7], [sflag:s8] =	dma.local @!p0 [hbm:s6], $0xF7A  }
0x23: {  	s9 =	sor.u32 $0xD0000000, s2;
	s6 =	simm.s32 $0x108;
	_ =	swait.ge @!p0 [sflag:s8], $0x0  }
0x24: {  	s3 =	sadd.s32 $0x88, s3;
	s6 =	simm.s32 @!p1 $0x1082;
	[sflag:s4] =	ssyncset.s32 $0xFFFFF086  }
0x25: {  	[simem:s6], [sflag:s4] =	dma.local [hbm:s3], $0xF7A  }
0x26: {  	[smem:$0x3F9F] =	sst s1;
	(tag) =	ssettag s2;
	_ =	strace s9  }
0x27: {  	s1 =	sld [smem:$0x3FAF]  }
0x28: {  	s2 =	sld [smem:$0x3FB0]  }
0x29: {  	s4 =	sld [smem:$0x3FB2]  }
0x2a: {  	p0 =	seq.s32 s5, $0x0;
	s5 =	sld [smem:$0x3FB3]  }
0x2b: {  	s6 =	sld [smem:$0x3FB4]  }
0x2c: {  	s7 =	sld [smem:$0x3FB5]  }
0x2d: {  	s3 =	simm.s32 $0x108;
	s8 =	sld [smem:$0x3FB6]  }
0x2e: {  	s3 =	simm.s32 @!p0 $0x1082;
	s9 =	sld [smem:$0x3FB7]  }
0x2f: {  	lr =	sadd.s32 s0, s3;
	s0 =	sld [smem:$0x3FAE]  }
0x30: {  	s3 =	sld [smem:$0x3FB1]  }
0x31: {  	[smem:$0x3FBA] =	sst s10  }
0x32: {  	s10 =	sld [smem:$0x3FB8];
	_ =	sdelay $0x3  }
0x33: {  	p0 =	seq.s32 s10, $0x1;
	s10 =	sld [smem:$0x3FBA];
	_ =	sdelay $0x3  }
0x34: {  	[smem:$0x3FBA] =	sst s10  }
0x35: {  	s10 =	sld [smem:$0x3FB9];
	_ =	sdelay $0x3  }
0x36: {  	p1 =	seq.s32 s10, $0x1;
	s10 =	sld [smem:$0x3FBA];
	_ =	sdelay $0x3  }
0x37: {  	[smem:$0x3FBA] =	sst s10  }
0x38: {  	s10 =	sld [smem:$0x3FBB]  }
0x39: {  	_ = 	snop;
	(pc) =	sbr.ind lr, $3  }
0x3a: {  	_ = 	snop  }
0x3b: {  	_ = 	snop  }
0x3c: {  	p2 =	seq.s32 s10, $0x1;
	s10 =	sld [smem:$0x3FBA]  }
0x3d: {  	_ =	shalt  }
0x3e: {  	_ =	shalt  }
0x3f: {  	_ =	shalt  }
0x40: {  	_ =	shalt  }
0x41: {  	_ =	shalt  }
0x42: {  	_ =	shalt  }
0x43: {  	_ =	shalt  }
0x44: {  	_ =	shalt  }
0x45: {  	_ =	shalt  }
0x46: {  	_ =	shalt  }
0x47: {  	_ =	shalt  }
0x48: {  	_ =	shalt  }
0x49: {  	_ =	shalt  }
0x4a: {  	_ =	shalt  }
0x4b: {  	_ =	shalt  }
0x4c: {  	_ =	shalt  }
0x4d: {  	_ =	shalt  }
0x4e: {  	_ =	shalt  }
0x4f: {  	_ =	shalt  }
0x50: {  	_ =	shalt  }
0x51: {  	_ =	shalt  }
0x52: {  	_ =	shalt  }
0x53: {  	_ =	shalt  }
0x54: {  	_ =	shalt  }
0x55: {  	_ =	shalt  }
0x56: {  	_ =	shalt  }
0x57: {  	_ =	shalt  }
0x58: {  	_ =	shalt  }
0x59: {  	_ =	shalt  }
0x5a: {  	_ =	shalt  }
0x5b: {  	_ =	shalt  }
0x5c: {  	_ =	shalt  }
0x5d: {  	_ =	shalt  }
0x5e: {  	_ =	shalt  }
0x5f: {  	_ =	shalt  }
0x60: {  	_ =	shalt  }
0x61: {  	_ =	shalt  }
0x62: {  	_ =	shalt  }
0x63: {  	_ =	shalt  }
0x64: {  	_ =	shalt  }
0x65: {  	_ =	shalt  }
0x66: {  	_ =	shalt  }
0x67: {  	_ =	shalt  }
0x68: {  	_ =	shalt  }
0x69: {  	_ =	shalt  }
0x6a: {  	_ =	shalt  }
0x6b: {  	_ =	shalt  }
0x6c: {  	_ =	shalt  }
0x6d: {  	_ =	shalt  }
0x6e: {  	_ =	shalt  }
0x6f: {  	_ =	shalt  }
0x70: {  	_ =	shalt  }
0x71: {  	_ =	shalt  }
0x72: {  	_ =	shalt  }
0x73: {  	_ =	shalt  }
0x74: {  	_ =	shalt  }
0x75: {  	_ =	shalt  }
0x76: {  	_ =	shalt  }
0x77: {  	_ =	shalt  }
0x78: {  	_ =	shalt  }
0x79: {  	_ =	shalt  }
0x7a: {  	_ =	shalt  }
0x7b: {  	_ =	shalt  }
0x7c: {  	_ =	shalt  }
0x7d: {  	_ =	shalt  }
0x7e: {  	_ =	shalt  }
0x7f: {  	_ =	shalt  }
0x80: {  	_ =	shalt  }
0x81: {  	_ =	shalt  }
0x82: {  	_ =	shalt  }
0x83: {  	_ =	shalt  }
0x84: {  	_ =	shalt  }
0x85: {  	_ =	shalt  }
0x86: {  	_ =	shalt  }
0x87: {  	_ =	shalt  }
.Lfunc_end0:
.L_simem_size_0:
called_computation.1_lowered:
.L_overlay_start_0:
0x88: {  	s2 =	sld [smem:$0x3FD9]  }
0x89: {  	s3 =	sld [smem:$0x3FFE];
	_ =	sdelay $0x1  }
0x8a: {  	s1 =	srdreg.scid  }
0x8b: {  	s0 =	sand.u32 $0x1, s1  }
0x8c: {  	s17 =	sshll.u32 s0, $0xA;
	s2 =	sadd.s32 s3, s2  }
0x8d: {  	s2 =	sadd.s32 s2, s17  }
0x8e: {  	[smem:$0x3FC6] =	sst s2  }
0x8f: {  	_ = 	snop  }
0x90: {  	s2 =	sld [smem:$0x3FC9]  }
0x91: {  	s18 =	sld [smem:$0x3FD0];
	(tm) =	ssettm $0x1  }
0x92: {  	s4 =	sld [smem:$0x3FFB];
	_ =	sdelay $0x3  }
0x93: {  	_ =	strace s4  }
0x94: {  	s4 =	sld [smem:$0x3FFC];
	_ =	sdelay $0x3  }
0x95: {  	_ =	strace s4  }
0x96: {  	s4 =	sld [smem:$0x3FFD];
	_ =	sdelay $0x3  }
0x97: {  	_ =	strace s4  }
0x98: {  	_ =	strace $0x8FFFFFFF  }
0x99: {  	s19 =	sld [smem:$0x3FDB];
	_ =	sdelay $0x1  }
0x9a: {  	s5 =	simm.s32 $_scs_section_size  }
0x9b: {  	s6 =	simm.s32 $_size__tile_overlayer_lowered;
	s7 =	simm.s32 $_tile_overlayer_lowered  }
0x9c: {  	s22 =	simm.s32 $0x1BFF;
	s21 =	sshll.u32 s7, $0x1;
	s4 =	sadd.s32 s5, s19  }
0x9d: {  	s8 =	simm.s32 $0x0;
	s20 =	sshll.u32 s6, $0x1;
	s6 =	sadd.s32 s21, s4  }
0x9e: {  	[timem:s8], [sflag:s22] =	dma.local [hbm:s6], s20  }
0x9f: {  	_ =	swait.ge [sflag:s22], s20  }
0xa0: {  	s5 =	ssub.s32 $0x0, s20;
	[sflag:s22] =	ssyncset.done $0x0  }
0xa1: {  	[sflag:s22] =	ssyncadd.s32 s5;
	_ =	sdelay $0x1  }
0xa2: {  	s23 =	simm.s32 $0x1B8B  }
0xa3: {  	_ =	swait.ge [sflag:s23], $0x1  }
0xa4: {  	[sflag:s23] =	ssyncset.done $0x0  }
0xa5: {  	s25 =	simm.s32 $0x1B8E;
	s24 =	sld [smem:$0x3FFE];
	[sflag:s23] =	ssyncadd.s32 $0xFFFFFFFF  }
0xa6: {  	s26 =	simm.s32 $execute0_lowered;
	[smem:$0x3FD2] =	sst s25  }
0xa7: {  	s6 =	sshll.u32 s26, $0x1;
	_ =	strace $0x80000046;
	[dreg:$0x1] =	wrdreg $0xFFFFFFFF  }
0xa8: {  	s28 =	simm.s32 $_size_execute0_lowered;
	s4 =	sadd.s32 s4, s6;
	[dreg:$0x0] =	wrdreg $0x0  }
0xa9: {  	s6 =	sshll.u32 s28, $0x1;
	[dreg:$0x2] =	wrdreg s4  }
0xaa: {  	[dreg:$0x3] =	wrdreg s6  }
0xab: {  	[dreg:$0x4] =	wrdreg $0xC0  }
0xac: {  	_ =	task [dreg:s8], $0x5FFFF  }
0xad: {  	[dreg:$0x1] =	wrdreg $0xFFFFFFFF  }
0xae: {  	[dreg:$0x0] =	wrdreg $0x60  }
0xaf: {  	[dreg:$0x2] =	wrdreg s2  }
0xb0: {  	[dreg:$0x3] =	wrdreg s24  }
0xb1: {  	[dreg:$0x4] =	wrdreg s18  }
0xb2: {  	[dreg:$0x5] =	wrdreg $0x9  }
0xb3: {  	_ =	task.clear_ibuf [dreg:s8], $0x6FFFF;
	_ =	strace $0x90000046  }
0xb4: {  	s29 =	simm.s32 $0x9;
	_ =	strace $0x80000048  }
0xb5: {  	_ =	swait.ge [sflag:s29], $0x1  }
0xb6: {  	[sflag:s29] =	ssyncadd.s32 $0xFFFFFFFF  }
0xb7: {  	_ =	strace $0x90000048  }
0xb8: {  	_ =	sfence  }
0xb9: {  	s30 =	sld [smem:$0x0];
	_ =	sdelay $0x2  }
0xba: {  	s31 =	sshll.u32 s1, $0xD;
	s1 =	sshrl.u32 s1, $0x2  }
0xbb: {  	s3 =	sand.u32 $0x4000, s31;
	s1 =	sadd.s32 s1, s30  }
0xbc: {  	s0 =	sor.u32 s3, s0;
	s1 =	sshll.u32 s1, $0x11  }
0xbd: {  	s0 =	sor.u32 s1, s0  }
0xbe: {  	s0 =	sadd.s32 $0x8F2B, s0  }
0xbf: {  	[sflag:s0] =	ssyncadd.remote.s32 $0x1  }
0xc0: {  	_ =	sfence.sel $0xFFFF  }
0xc1: {  	[dreg:$0x0] =	wrdreg $0xFFFFFFFF;
	(pc) =	sbr.abs _section_cstart, $3  }
0xc2: {  	[dreg:$0x1] =	wrdreg $0xFFFFFFFF  }
0xc3: {  	_ =	task.clear_ibuf [dreg:s8], $0x2FFFF;
	_ =	strace $0x9FFFFFFF  }
0xc4: {  	(tm) =	ssettm $0x7FFFFFFF  }
0xc5: {  	_ =	shalt  }
tec
execute0_lowered:
.L_overlay_start_1:
0x0: {  	(tag) =	ssettag $0x1  }
0x1: {  	s0 =	rddreg [dreg:$0x0]  }
0x2: {  	s2 =	rddreg [dreg:$0x1]  }
0x3: {  	s1 =	rddreg [dreg:$0x2];
	s4 =	simm.s32 $0x0;
	s3 =	srdreg.scid  }
0x4: {  	s7 =	stileid.u32;
	s13 =	simm.s32 $0x80;
	s15 =	simm.s32 $0x5  }
0x5: {  	s16 =	simm.s32 $0x6400;
	s17 =	simm.s32 $0x8400;
	s19 =	simm.s32 $0xA400  }
0x6: {  	s29 =	simm.s32 $0x10400;
	s31 =	simm.s32 $0x12400;
	s18 =	simm.s32 $0x16400  }
0x7: {  	s28 =	simm.s32 $0x2;
	s30 =	simm.s32 $0x3;
	s20 =	simm.s32 $0x4  }
0x8: {  	s14 =	simm.s32 $0x0;
	[smem:$0x7FF] =	sst s4;
	s3 =	sand.u32 $0x1, s3  }
0x9: {  	s4 =	sadd.s32 $0xF42C00, s2;
	s22 =	sshll.u32 s7, $0x8;
	s23 =	sshll.u32 s7, $0xE  }
0xa: {  	s5 =	ssub.s32 $0x2, s3;
	s6 =	sshll.u32 s3, $0x7;
	s3 =	sshll.u32 s3, $0xD  }
0xb: {  	_ =	strace $0x80000047;
	s21 =	sshrl.u32 s5, $0x1;
	s3 =	sor.u32 s3, s23  }
0xc: {  	s23 =	simm.s32 $0xE400;
	s2 =	ssub.s32 s5, s21;
	s5 =	sor.u32 s6, s22  }
0xd: {  	s25 =	sor.u32 $0x3C0000, s3;
	s12 =	sor.u32 $0x280000, s3;
	s21 =	simm.s32 $0xC400  }
0xe: {  	s3 =	simm.s32 $0x14400;
	s22 =	simm.s32 $0x18400;
	s24 =	sshrl.u32 s5, $0x3  }
0xf: {  	s5 =	sshll.u32 s5, $0x3;
	s10 =	smax.u32 s2, $0x1;
	s0 =	sadd.s32 s0, s24  }
0x10: {  	s6 =	sadd.s32 s1, s5;
	s24 =	simm.s32 $0x1;
	[dreg:$0x4] =	wrdreg s0  }
0x11: {  	s5 =	sadd.s32 $0x28000, s6;
	s26 =	sadd.s32 $0x5F0000, s6;
	s0 =	sshrl.u32 s25, $0x3  }
0x12: {  	s9 =	sadd.s32 $0x618000, s6;
	s25 =	simm.s32 $0x2000;
	[dreg:$0x5] =	wrdreg s5  }
0x13: {  	[dreg:$0x6] =	wrdreg s26;
	s11 =	sadd.s32 s0, s1;
	s26 =	simm.s32 $0x40000  }
.LBB2_1:
0x14: {  	s0 =	simm.s32 $0x0;
	s2 =	rddreg [dreg:$0x4];
	s5 =	simm.s32 $0x1000  }
0x15: {  	[tilespmem:s0], [sflag:$0x5] =	stream.strided.gather [hbm4b:s2+s13], $0x6400, s5, s13, $0x38;
	[tilespmem:$0x1A400] =	vst v63  }
0x16: {  	_ =	swait.ge [sflag:s15], $0x6400  }
0x17: {  	[sflag:s15] =	ssyncset.done $0x0  }
0x18: {  	[sflag:s15] =	ssyncadd.s32 $0xFFFF9C00  }
0x19: {  	[tilespmem:s16], [sflag:$0x1] =	stream.indirect.gather [hbm4b:s4+s13], $0x40, s0, s13, $0xb8;
	[tilespmem:$0x1A400] =	vst v63  }
0x1a: {  	_ = 	snop  }
0x1b: {  	[tilespmem:s17], [sflag:$0x1] =	stream.indirect.gather [hbm4b:s4+s13], $0x40, s13, s13, $0xb8;
	[tilespmem:$0x1A400] =	vst v63  }
0x1c: {  	s2 =	simm.s32 $0x100  }
0x1d: {  	[tilespmem:s19], [sflag:$0x1] =	stream.indirect.gather [hbm4b:s4+s13], $0x40, s2, s13, $0xb8;
	[tilespmem:$0x1A400] =	vst v63  }
0x1e: {  	s5 =	simm.s32 $0x180  }
0x1f: {  	[tilespmem:s21], [sflag:$0x1] =	stream.indirect.gather [hbm4b:s4+s13], $0x40, s5, s13, $0xb8;
	[tilespmem:$0x1A400] =	vst v63  }
0x20: {  	s7 =	simm.s32 $0x200  }
0x21: {  	[tilespmem:s23], [sflag:$0x1] =	stream.indirect.gather [hbm4b:s4+s13], $0x40, s7, s13, $0xb8;
	[tilespmem:$0x1A400] =	vst v63  }
0x22: {  	_ =	swait.ge [sflag:s24], $0xA000  }
0x23: {  	[sflag:s24] =	ssyncset.done $0x0  }
0x24: {  	[sflag:s24] =	ssyncadd.s32 $0xFFFF6000  }
0x25: {  	[hbm4b:s6+s25] =	stream.strided.scatter [tilespmem:s16], [sflag:$0x3], $0xA000, s26, s25, $0x38;
	[tilespmem:$0x1A400] =	vst v63  }
0x26: {  	s8 =	simm.s32 $0x280  }
0x27: {  	[tilespmem:s29], [sflag:$0x2] =	stream.indirect.gather [hbm4b:s4+s13], $0x40, s8, s13, $0xb8;
	[tilespmem:$0x1A400] =	vst v63  }
0x28: {  	s2 =	simm.s32 $0x300  }
0x29: {  	[tilespmem:s31], [sflag:$0x2] =	stream.indirect.gather [hbm4b:s4+s13], $0x40, s2, s13, $0xb8;
	[tilespmem:$0x1A400] =	vst v63  }
0x2a: {  	s5 =	simm.s32 $0x380  }
0x2b: {  	[tilespmem:s3], [sflag:$0x2] =	stream.indirect.gather [hbm4b:s4+s13], $0x40, s5, s13, $0xb8;
	[tilespmem:$0x1A400] =	vst v63  }
0x2c: {  	s7 =	simm.s32 $0x400  }
0x2d: {  	[tilespmem:s18], [sflag:$0x2] =	stream.indirect.gather [hbm4b:s4+s13], $0x40, s7, s13, $0xb8;
	[tilespmem:$0x1A400] =	vst v63  }
0x2e: {  	s8 =	simm.s32 $0x480  }
0x2f: {  	[tilespmem:s22], [sflag:$0x2] =	stream.indirect.gather [hbm4b:s4+s13], $0x40, s8, s13, $0xb8;
	[tilespmem:$0x1A400] =	vst v63  }
0x30: {  	_ =	swait.ge [sflag:s28], $0xA000  }
0x31: {  	[sflag:s28] =	ssyncset.done $0x0  }
0x32: {  	s2 =	rddreg [dreg:$0x5];
	[sflag:s28] =	ssyncadd.s32 $0xFFFF6000  }
0x33: {  	[hbm4b:s2+s25] =	stream.strided.scatter [tilespmem:s29], [sflag:$0x4], $0xA000, s26, s25, $0x38;
	[tilespmem:$0x1A400] =	vst v63  }
0x34: {  	_ =	swait.ge [sflag:s30], $0xA000  }
0x35: {  	[sflag:s30] =	ssyncset.done $0x0  }
0x36: {  	s5 =	simm.s32 $0x500;
	[sflag:s30] =	ssyncadd.s32 $0xFFFF6000  }
0x37: {  	[tilespmem:s16], [sflag:$0x1] =	stream.indirect.gather [hbm4b:s4+s13], $0x40, s5, s13, $0xb8;
	[tilespmem:$0x1A400] =	vst v63  }
0x38: {  	s7 =	simm.s32 $0x580  }
0x39: {  	[tilespmem:s17], [sflag:$0x1] =	stream.indirect.gather [hbm4b:s4+s13], $0x40, s7, s13, $0xb8;
	[tilespmem:$0x1A400] =	vst v63  }
0x3a: {  	s8 =	simm.s32 $0x600  }
0x3b: {  	[tilespmem:s19], [sflag:$0x1] =	stream.indirect.gather [hbm4b:s4+s13], $0x40, s8, s13, $0xb8;
	[tilespmem:$0x1A400] =	vst v63  }
0x3c: {  	s2 =	simm.s32 $0x680  }
0x3d: {  	[tilespmem:s21], [sflag:$0x1] =	stream.indirect.gather [hbm4b:s4+s13], $0x40, s2, s13, $0xb8;
	[tilespmem:$0x1A400] =	vst v63  }
0x3e: {  	s5 =	simm.s32 $0x700  }
0x3f: {  	[tilespmem:s23], [sflag:$0x1] =	stream.indirect.gather [hbm4b:s4+s13], $0x40, s5, s13, $0xb8;
	[tilespmem:$0x1A400] =	vst v63  }
0x40: {  	_ =	swait.ge [sflag:s24], $0xA000  }
0x41: {  	s7 =	sshrl.u32 s12, $0x3;
	[sflag:s24] =	ssyncset.done $0x0  }
0x42: {  	s0 =	sadd.s32 s1, s7;
	[sflag:s24] =	ssyncadd.s32 $0xFFFF6000  }
0x43: {  	[hbm4b:s0+s25] =	stream.strided.scatter [tilespmem:s16], [sflag:$0x3], $0xA000, s26, s25, $0x38;
	[tilespmem:$0x1A400] =	vst v63  }
0x44: {  	_ =	swait.ge [sflag:s20], $0xA000  }
0x45: {  	[sflag:s20] =	ssyncset.done $0x0  }
0x46: {  	s8 =	simm.s32 $0x780;
	[sflag:s20] =	ssyncadd.s32 $0xFFFF6000  }
0x47: {  	[tilespmem:s29], [sflag:$0x2] =	stream.indirect.gather [hbm4b:s4+s13], $0x40, s8, s13, $0xb8;
	[tilespmem:$0x1A400] =	vst v63  }
0x48: {  	s2 =	simm.s32 $0x800  }
0x49: {  	[tilespmem:s31], [sflag:$0x2] =	stream.indirect.gather [hbm4b:s4+s13], $0x40, s2, s13, $0xb8;
	[tilespmem:$0x1A400] =	vst v63  }
0x4a: {  	s5 =	simm.s32 $0x880  }
0x4b: {  	[tilespmem:s3], [sflag:$0x2] =	stream.indirect.gather [hbm4b:s4+s13], $0x40, s5, s13, $0xb8;
	[tilespmem:$0x1A400] =	vst v63  }
0x4c: {  	s7 =	simm.s32 $0x900  }
0x4d: {  	[tilespmem:s18], [sflag:$0x2] =	stream.indirect.gather [hbm4b:s4+s13], $0x40, s7, s13, $0xb8;
	[tilespmem:$0x1A400] =	vst v63  }
0x4e: {  	s8 =	simm.s32 $0x980  }
0x4f: {  	[tilespmem:s22], [sflag:$0x2] =	stream.indirect.gather [hbm4b:s4+s13], $0x40, s8, s13, $0xb8;
	[tilespmem:$0x1A400] =	vst v63  }
0x50: {  	_ =	swait.ge [sflag:s28], $0xA000  }
0x51: {  	[sflag:s28] =	ssyncset.done $0x0  }
0x52: {  	[sflag:s28] =	ssyncadd.s32 $0xFFFF6000  }
0x53: {  	[hbm4b:s11+s25] =	stream.strided.scatter [tilespmem:s29], [sflag:$0x4], $0xA000, s26, s25, $0x38;
	[tilespmem:$0x1A400] =	vst v63  }
0x54: {  	_ =	swait.ge [sflag:s30], $0xA000  }
0x55: {  	[sflag:s30] =	ssyncset.done $0x0  }
0x56: {  	s2 =	simm.s32 $0xA00;
	[sflag:s30] =	ssyncadd.s32 $0xFFFF6000  }
0x57: {  	[tilespmem:s16], [sflag:$0x1] =	stream.indirect.gather [hbm4b:s4+s13], $0x40, s2, s13, $0xb8;
	[tilespmem:$0x1A400] =	vst v63  }
0x58: {  	s5 =	simm.s32 $0xA80  }
0x59: {  	[tilespmem:s17], [sflag:$0x1] =	stream.indirect.gather [hbm4b:s4+s13], $0x40, s5, s13, $0xb8;
	[tilespmem:$0x1A400] =	vst v63  }
0x5a: {  	s0 =	simm.s32 $0x1400;
	s7 =	simm.s32 $0xB00;
	s8 =	simm.s32 $0xB80  }
0x5b: {  	[tilespmem:s19], [sflag:$0x1] =	stream.indirect.gather [hbm4b:s4+s13], $0x40, s7, s13, $0xb8;
	[tilespmem:$0x1A400] =	vst v63  }
0x5c: {  	s2 =	sadd.s32 $0x50000, s11;
	s5 =	sadd.s32 $0x280000, s12;
	s7 =	simm.s32 $0xC00  }
0x5d: {  	[tilespmem:s21], [sflag:$0x1] =	stream.indirect.gather [hbm4b:s4+s13], $0x40, s8, s13, $0xb8;
	[tilespmem:$0x1A400] =	vst v63  }
.LBB2_2:
0x5e: {  	[tilespmem:s23], [sflag:$0x1] =	stream.indirect.gather [hbm4b:s4+s13], $0x40, s7, s13, $0xb8;
	[tilespmem:$0x1A400] =	vst v63  }
0x5f: {  	s7 =	smov.u32 s0  }
0x60: {  	p0 =	sne.s32 s0, $0x15400;
	s0 =	sadd.s32 $0x1400, s0;
	_ =	swait.ge [sflag:s24], $0xA000  }
0x61: {  	s8 =	sshrl.u32 s5, $0x3;
	[sflag:s24] =	ssyncset.done $0x0  }
0x62: {  	s8 =	sadd.s32 s1, s8;
	[sflag:s24] =	ssyncadd.s32 $0xFFFF6000  }
0x63: {  	[hbm4b:s8+s25] =	stream.strided.scatter [tilespmem:s16], [sflag:$0x3], $0xA000, s26, s25, $0x38;
	[tilespmem:$0x1A400] =	vst v63  }
0x64: {  	_ =	swait.ge [sflag:s20], $0xA000  }
0x65: {  	s7 =	sshra.s32 s7, $0x2;
	[sflag:s20] =	ssyncset.done $0x0  }
0x66: {  	s8 =	sadd.s32 $0x780, s7;
	[sflag:s20] =	ssyncadd.s32 $0xFFFF6000  }
0x67: {  	[tilespmem:s29], [sflag:$0x2] =	stream.indirect.gather [hbm4b:s4+s13], $0x40, s8, s13, $0xb8;
	[tilespmem:$0x1A400] =	vst v63  }
0x68: {  	s8 =	sadd.s32 $0x800, s7  }
0x69: {  	[tilespmem:s31], [sflag:$0x2] =	stream.indirect.gather [hbm4b:s4+s13], $0x40, s8, s13, $0xb8;
	[tilespmem:$0x1A400] =	vst v63  }
0x6a: {  	s8 =	sadd.s32 $0x880, s7  }
0x6b: {  	[tilespmem:s3], [sflag:$0x2] =	stream.indirect.gather [hbm4b:s4+s13], $0x40, s8, s13, $0xb8;
	[tilespmem:$0x1A400] =	vst v63  }
0x6c: {  	s8 =	sadd.s32 $0x900, s7  }
0x6d: {  	[tilespmem:s18], [sflag:$0x2] =	stream.indirect.gather [hbm4b:s4+s13], $0x40, s8, s13, $0xb8;
	[tilespmem:$0x1A400] =	vst v63  }
0x6e: {  	s8 =	sadd.s32 $0x980, s7  }
0x6f: {  	[tilespmem:s22], [sflag:$0x2] =	stream.indirect.gather [hbm4b:s4+s13], $0x40, s8, s13, $0xb8;
	[tilespmem:$0x1A400] =	vst v63  }
0x70: {  	_ =	swait.ge [sflag:s28], $0xA000  }
0x71: {  	[sflag:s28] =	ssyncset.done $0x0  }
0x72: {  	[sflag:s28] =	ssyncadd.s32 $0xFFFF6000  }
0x73: {  	[hbm4b:s2+s25] =	stream.strided.scatter [tilespmem:s29], [sflag:$0x4], $0xA000, s26, s25, $0x38;
	[tilespmem:$0x1A400] =	vst v63  }
0x74: {  	_ =	swait.ge [sflag:s30], $0xA000  }
0x75: {  	[sflag:s30] =	ssyncset.done $0x0  }
0x76: {  	s8 =	sadd.s32 $0xA00, s7;
	[sflag:s30] =	ssyncadd.s32 $0xFFFF6000  }
0x77: {  	[tilespmem:s16], [sflag:$0x1] =	stream.indirect.gather [hbm4b:s4+s13], $0x40, s8, s13, $0xb8;
	[tilespmem:$0x1A400] =	vst v63  }
0x78: {  	s8 =	sadd.s32 $0xA80, s7  }
0x79: {  	[tilespmem:s17], [sflag:$0x1] =	stream.indirect.gather [hbm4b:s4+s13], $0x40, s8, s13, $0xb8;
	[tilespmem:$0x1A400] =	vst v63  }
.Ltmp0:
0x7a: {  	s8 =	sadd.s32 $0xB00, s7;
	(pc) =	sbr.rel @p0 .LBB2_2-.Ltmp0, $4  }
0x7b: {  	[tilespmem:s19], [sflag:$0x1] =	stream.indirect.gather [hbm4b:s4+s13], $0x40, s8, s13, $0xb8;
	[tilespmem:$0x1A400] =	vst v63  }
0x7c: {  	s8 =	sadd.s32 $0xB80, s7  }
0x7d: {  	[tilespmem:s21], [sflag:$0x1] =	stream.indirect.gather [hbm4b:s4+s13], $0x40, s8, s13, $0xb8;
	[tilespmem:$0x1A400] =	vst v63  }
0x7e: {  	s5 =	sadd.s32 $0x280000, s5;
	s2 =	sadd.s32 $0x50000, s2;
	s7 =	sadd.s32 $0xC00, s7  }
0x7f: {  	[tilespmem:s23], [sflag:$0x1] =	stream.indirect.gather [hbm4b:s4+s13], $0x40, s7, s13, $0xb8;
	[tilespmem:$0x1A400] =	vst v63  }
0x80: {  	_ =	swait.ge [sflag:s24], $0xA000  }
0x81: {  	[sflag:s24] =	ssyncset.done $0x0  }
0x82: {  	s0 =	rddreg [dreg:$0x6];
	[sflag:s24] =	ssyncadd.s32 $0xFFFF6000  }
0x83: {  	[hbm4b:s0+s25] =	stream.strided.scatter [tilespmem:s16], [sflag:$0x3], $0xA000, s26, s25, $0x38;
	[tilespmem:$0x1A400] =	vst v63  }
0x84: {  	_ =	swait.ge [sflag:s20], $0xA000  }
0x85: {  	[sflag:s20] =	ssyncset.done $0x0  }
0x86: {  	s8 =	simm.s32 $0x6180;
	[sflag:s20] =	ssyncadd.s32 $0xFFFF6000  }
0x87: {  	[tilespmem:s29], [sflag:$0x2] =	stream.indirect.gather [hbm4b:s4+s13], $0x40, s8, s13, $0xb8;
	[tilespmem:$0x1A400] =	vst v63  }
0x88: {  	s2 =	simm.s32 $0x6200  }
0x89: {  	[tilespmem:s31], [sflag:$0x2] =	stream.indirect.gather [hbm4b:s4+s13], $0x40, s2, s13, $0xb8;
	[tilespmem:$0x1A400] =	vst v63  }
0x8a: {  	s5 =	simm.s32 $0x6280  }
0x8b: {  	[tilespmem:s3], [sflag:$0x2] =	stream.indirect.gather [hbm4b:s4+s13], $0x40, s5, s13, $0xb8;
	[tilespmem:$0x1A400] =	vst v63  }
0x8c: {  	s7 =	simm.s32 $0x6300  }
0x8d: {  	[tilespmem:s18], [sflag:$0x2] =	stream.indirect.gather [hbm4b:s4+s13], $0x40, s7, s13, $0xb8;
	[tilespmem:$0x1A400] =	vst v63  }
0x8e: {  	s8 =	simm.s32 $0x6380  }
0x8f: {  	[tilespmem:s22], [sflag:$0x2] =	stream.indirect.gather [hbm4b:s4+s13], $0x40, s8, s13, $0xb8;
	[tilespmem:$0x1A400] =	vst v63  }
0x90: {  	_ =	swait.ge [sflag:s28], $0xA000  }
0x91: {  	[sflag:s28] =	ssyncset.done $0x0  }
0x92: {  	s14 =	sadd.s32 $0x1, s14;
	[sflag:s28] =	ssyncadd.s32 $0xFFFF6000  }
0x93: {  	[hbm4b:s9+s25] =	stream.strided.scatter [tilespmem:s29], [sflag:$0x4], $0xA000, s26, s25, $0x38;
	[tilespmem:$0x1A400] =	vst v63  }
0x94: {  	p0 =	sne.s32 s14, s10;
	_ =	swait.ge [sflag:s30], $0xA000  }
.Ltmp1:
0x95: {  	[sflag:s30] =	ssyncset.done $0x0;
	(pc) =	sbr.rel @p0 .LBB2_1-.Ltmp1, $4  }
0x96: {  	[sflag:s30] =	ssyncadd.s32 $0xFFFF6000  }
0x97: {  	_ =	swait.ge [sflag:s20], $0xA000  }
0x98: {  	[sflag:s20] =	ssyncset.done $0x0  }
0x99: {  	[sflag:s20] =	ssyncadd.s32 $0xFFFF6000  }
0x9a: {  	_ =	sfence.sel $0x180000  }
0x9b: {  	[bflag:$0x0] =	sbarrier.arrive $0xFFFF  }
0x9c: {  	_ =	strace $0x90000047  }
0x9d: {  	s0 =	stileid.u32;
	[bflag:$0x2] =	sbarrier.arrive $0xFFFF  }
0x9e: {  	p0 =	sne.s32 s0, $0x0;
	s0 =	rddreg [dreg:$0x3]  }
0x9f: {  	s0 =	sadd.s32 @!p0 $0x100000, s0  }
0xa0: {  	[sflag:s0] =	ssyncadd.tile.s32 @!p0 $0x1;
	_ =	shalt  }
.Lfunc_end2:
_tile_overlayer_lowered:
.L_overlay_start_2:
0xa1: {  	(tag) =	ssettag $0x2  }
0xa2: {  	s0 =	rddreg [dreg:$0x0];
	s2 =	stileid.u32  }
0xa3: {  	s1 =	rddreg [dreg:$0x1];
	p0 =	sne.s32 s2, $0x0  }
0xa4: {  	s3 =	rddreg [dreg:$0x2];
	[bflag:$0x3] =	sbarrier.arrive $0xFFFF;
	s2 =	simm.s32 @!p0 $0x1C05  }
0xa5: {  	[timem:s3], [sflag:s2] =	dma.local @!p0 [hbm:s0], s1  }
0xa6: {  	s0 =	simm.s32 @!p0 $0x5  }
0xa7: {  	_ =	swait.ge @!p0 [sflag:s0], s1  }
0xa8: {  	s1 =	ssub.s32 @!p0 $0x0, s1;
	[sflag:s0] =	ssyncset.done @!p0 $0x0  }
0xa9: {  	[sflag:s0] =	ssyncadd.s32 @!p0 s1  }
0xaa: {  	[bflag:$0x3] =	sbarrier.arrive $0xFFFF  }
0xab: {  	_ =	shalt  }

// kernel: sparse-core-data-format-call.cloned.1.call-start
scs
called_computation_lowered:
.L_overlay_start_0:
0x0: {  	s2 =	sld [smem:$0x3FD9]  }
0x1: {  	s3 =	sld [smem:$0x3FFE];
	_ =	sdelay $0x1  }
0x2: {  	s1 =	srdreg.scid  }
0x3: {  	s0 =	sand.u32 $0x1, s1  }
0x4: {  	s18 =	sshll.u32 s0, $0xA;
	s2 =	sadd.s32 s3, s2  }
0x5: {  	s2 =	sadd.s32 s2, s18  }
0x6: {  	[smem:$0x3FC6] =	sst s2  }
0x7: {  	_ = 	snop  }
0x8: {  	s2 =	sld [smem:$0x3FD0];
	(tm) =	ssettm $0x1  }
0x9: {  	s19 =	sld [smem:$0x3FFB];
	_ =	sdelay $0x3  }
0xa: {  	_ =	strace s19  }
0xb: {  	s3 =	sld [smem:$0x3FFC];
	_ =	sdelay $0x3  }
0xc: {  	_ =	strace s3  }
0xd: {  	s3 =	sld [smem:$0x3FFD];
	_ =	sdelay $0x3  }
0xe: {  	_ =	strace s3  }
0xf: {  	_ =	strace $0x8FFFFFFF  }
0x10: {  	s20 =	sld [smem:$0x3FDB];
	_ =	sdelay $0x1  }
0x11: {  	s4 =	simm.s32 $_scs_section_size  }
0x12: {  	s5 =	simm.s32 $_size__tile_overlayer_lowered;
	s6 =	simm.s32 $_tile_overlayer_lowered  }
0x13: {  	s23 =	simm.s32 $0x1BFF;
	s22 =	sshll.u32 s6, $0x1;
	s3 =	sadd.s32 s4, s20  }
0x14: {  	s7 =	simm.s32 $0x0;
	s21 =	sshll.u32 s5, $0x1;
	s5 =	sadd.s32 s22, s3  }
0x15: {  	[timem:s7], [sflag:s23] =	dma.local [hbm:s5], s21  }
0x16: {  	_ =	swait.ge [sflag:s23], s21  }
0x17: {  	s4 =	ssub.s32 $0x0, s21;
	[sflag:s23] =	ssyncset.done $0x0  }
0x18: {  	[sflag:s23] =	ssyncadd.s32 s4;
	_ =	sdelay $0x1  }
0x19: {  	s24 =	simm.s32 $0x1B8B  }
0x1a: {  	_ =	swait.ge [sflag:s24], $0x1  }
0x1b: {  	[sflag:s24] =	ssyncset.done $0x0  }
0x1c: {  	s26 =	simm.s32 $0x1B8E;
	s25 =	sld [smem:$0x3FFE];
	[sflag:s24] =	ssyncadd.s32 $0xFFFFFFFF  }
0x1d: {  	s27 =	simm.s32 $execute0_lowered;
	[smem:$0x3FD2] =	sst s26  }
0x1e: {  	s5 =	sshll.u32 s27, $0x1;
	_ =	strace $0x80000049;
	[dreg:$0x1] =	wrdreg $0xFFFFFFFF  }
0x1f: {  	s28 =	simm.s32 $_size_execute0_lowered;
	s3 =	sadd.s32 s3, s5;
	[dreg:$0x0] =	wrdreg $0x0  }
0x20: {  	s5 =	sshll.u32 s28, $0x1;
	[dreg:$0x2] =	wrdreg s3  }
0x21: {  	[dreg:$0x3] =	wrdreg s5  }
0x22: {  	[dreg:$0x4] =	wrdreg $0xC0  }
0x23: {  	_ =	task [dreg:s7], $0x5FFFF  }
0x24: {  	[dreg:$0x1] =	wrdreg $0xFFFFFFFF  }
0x25: {  	[dreg:$0x0] =	wrdreg $0x60  }
0x26: {  	[dreg:$0x2] =	wrdreg s25  }
0x27: {  	[dreg:$0x3] =	wrdreg s2  }
0x28: {  	[dreg:$0x4] =	wrdreg $0x9  }
0x29: {  	_ =	task.clear_ibuf [dreg:s7], $0x5FFFF;
	_ =	strace $0x90000049  }
0x2a: {  	s29 =	simm.s32 $0x9;
	_ =	strace $0x8000004B  }
0x2b: {  	_ =	swait.ge [sflag:s29], $0x1  }
0x2c: {  	[sflag:s29] =	ssyncadd.s32 $0xFFFFFFFF  }
0x2d: {  	_ =	strace $0x9000004B  }
0x2e: {  	_ =	sfence  }
0x2f: {  	s30 =	sld [smem:$0x0];
	_ =	sdelay $0x2  }
0x30: {  	s31 =	sshll.u32 s1, $0xD;
	s1 =	sshrl.u32 s1, $0x2  }
0x31: {  	s3 =	sand.u32 $0x4000, s31;
	s1 =	sadd.s32 s1, s30  }
0x32: {  	s0 =	sor.u32 s3, s0;
	s1 =	sshll.u32 s1, $0x11  }
0x33: {  	s0 =	sor.u32 s1, s0  }
0x34: {  	s0 =	sadd.s32 $0x8F2B, s0  }
0x35: {  	[sflag:s0] =	ssyncadd.remote.s32 $0x1  }
0x36: {  	_ =	sfence.sel $0xFFFF  }
0x37: {  	[dreg:$0x0] =	wrdreg $0xFFFFFFFF;
	(pc) =	sbr.abs _section_cstart, $3  }
0x38: {  	[dreg:$0x1] =	wrdreg $0xFFFFFFFF  }
0x39: {  	_ =	task.clear_ibuf [dreg:s7], $0x2FFFF;
	_ =	strace $0x9FFFFFFF  }
0x3a: {  	(tm) =	ssettm $0x7FFFFFFF  }
0x3b: {  	_ =	shalt  }
tec
execute0_lowered:
.L_overlay_start_1:
0x0: {  	(tag) =	ssettag $0x1  }
0x1: {  	s0 =	srdreg.scid  }
0x2: {  	s1 =	sshll.u32 s0, $0x4  }
0x3: {  	s5 =	rddreg [dreg:$0x0];
	s0 =	stileid.u32;
	s1 =	sand.u32 $0x10, s1  }
0x4: {  	s3 =	rddreg [dreg:$0x1];
	s31 =	simm.s32 $0x2;
	s4 =	sor.u32 s0, s1  }
0x5: {  	s13 =	simm.s32 $0x0;
	s9 =	simm.s32 $0x400;
	s2 =	sshll.u32 s4, $0x7  }
0x6: {  	s10 =	simm.s32 $0x8000;
	s14 =	simm.s32 $0x0;
	s6 =	ssub.s32 $0x1000, s2  }
0x7: {  	s1 =	rddreg [dreg:$0x2];
	_ =	strace $0x8000004A;
	s7 =	sand.u32 $0xF80, s6  }
0x8: {  	s4 =	sshll.u32 s4, $0xB;
	p0 =	sne.s32 s7, $0x0;
	s7 =	simm.s32 $0x1  }
.Ltmp0:
0x9: {  	s6 =	sshrl.u32 s6, $0xC;
	s7 =	simm.s32 @!p0 $0x0;
	(pc) =	sbr.rel .LBB1_1-.Ltmp0, $4  }
0xa: {  	s8 =	sadd.s32 s4, s5;
	s4 =	simm.s32 $0x1;
	s30 =	sadd.s32 s7, s6  }
0xb: {  	s11 =	simm.s32 $0x0;
	[sflag:s4] =	ssyncpa.u1 $0x0;
	s5 =	smul.u32 $0x64, s30  }
0xc: {  	s12 =	simm.s32 $0x0;
	[sflag:s31] =	ssyncpa.u1 $0x0;
	p0 =	por $0x0, $0x0  }
0xd: {  	s6 =	sadd.s32 $0x800, s8;
	s7 =	sadd.s32 $0x10800, s8;
	s8 =	sor.u32 $0x1, s5  }
.LBB1_7:
0xe: {  	s15 =	sadd.s32 $0x2, s11  }
0xf: {  	p2 =	sgt.s32 s15, $0xC7  }
0x10: {  	s15 =	simm.s32 @p2 $0x0;
	p2 =	sne.s32 s12, s8  }
.Ltmp1:
0x11: {  	p1 =	slt.u32 s12, $0x2;
	(pc) =	sbr.rel @!p2 .LBB1_8-.Ltmp1, $4  }
0x12: {  	s13 =	simm.s32 @!p1 $0x2  }
0x13: {  	s16 =	sadd.s32 $0x1, s12;
	s14 =	smov.u32 s11;
	_ =	swait.ge @!p1 [sflag:s13], $0x4000  }
0x14: {  	p0 =	por !p0, !p0;
	s12 =	smov.u32 s16;
	[sflag:s13] =	ssyncset.done @!p1 $0x0  }
0x15: {  	s11 =	smov.u32 s15;
	[sflag:s13] =	ssyncadd.s32 @!p1 $0xFFFFC000;
	s13 =	smov.u32 s2  }
.LBB1_1:
0x16: {  	p1 =	sge.u32 s12, s5  }
0x17: {  	s15 =	sxor.u32 @!p1 $0xFFFFFFFF, s12  }
0x18: {  	s16 =	sshll.u32 @!p1 s11, $0x10;
	s18 =	simm.s32 @!p1 $0x40;
	s15 =	sshll.u32 @!p1 s15, $0xE  }
0x19: {  	s19 =	simm.s32 @!p1 $0x80;
	s17 =	sadd.s32 @!p1 s16, s6;
	s15 =	sand.u32 @!p1 $0x4000, s15  }
0x1a: {  	[tilespmem:s15], [sflag:$0x1] =	stream.strided.gather @!p1 [hbm4b:s17+s18], $0x2000, s19, s18, $0x38;
	[tilespmem:$0x10100] =	vst v63  }
0x1b: {  	s31 =	sadd.s32 $0xFFFFFFFF, s12;
	s16 =	sadd.s32 @!p1 s16, s7;
	s15 =	sor.u32 @!p1 $0x2000, s15  }
0x1c: {  	[tilespmem:s15], [sflag:$0x1] =	stream.strided.gather @!p1 [hbm4b:s16+s18], $0x2000, s19, s18, $0x38;
	[tilespmem:$0x10100] =	vst v63  }
0x1d: {  	p1 =	sge.u32 s31, s5  }
.Ltmp2:
0x1e: {  	_ = 	snop;
	(pc) =	sbr.rel @p1 .LBB1_7-.Ltmp2, $1  }
0x1f: {  	_ =	sdelay $0x3  }
0x20: {  	s15 =	simm.s32 $0x1;
	s17 =	sand.u32 $0x1, s12  }
0x21: {  	_ =	swait.ge [sflag:s4], $0x4000;
	s15 =	simm.s32 @!p0 $0x0;
	s17 =	smul.u32 $0x10200, s17  }
0x22: {  	p2 =	por $0x1, $0x1;
	[sflag:s4] =	ssyncset.done $0x0;
	s16 =	smul.u32 $0x10200, s15  }
0x23: {  	s18 =	sshll.u32 s15, $0x10;
	[sflag:s4] =	ssyncadd.s32 $0xFFFFC000;
	s30 =	sshrl.u32 s17, $0x2  }
0x24: {  	s31 =	sshrl.u32 s18, $0x2;
	s18 =	simm.s32 $0x0;
	s16 =	sshrl.u32 s16, $0x2  }
0x25: {  	s15 =	sor.u32 $0x8000, s30;
	s17 =	sadd.s32 $0x20, s31;
	s16 =	sor.u32 $0x8000, s16  }
.LBB1_3:
0x26: {  	s19 =	sshll.u32 s18, $0xD  }
0x27: {  	s19 =	sand.u32 $0x3FFFE000, s19  }
0x28: {  	s21 =	sadd.s32 s19, s17  }
0x29: {  	s31 =	smul.u32 $0x8100, s18;
	v3 =	vld [tilespmem:s21+$0x10]  }
0x2a: {  	v1 =	vld [tilespmem:s21+$0xFFFFFFF0]  }
0x2b: {  	s18 =	sshra.s32 s31, $0x2;
	v0 =	vld [tilespmem:s21+$0x0]  }
0x2c: {  	s18 =	sadd.s32 s18, s16;
	v2 =	vld [tilespmem:s21+$0xFFFFFFE0]  }
0x2d: {  	s19 =	sadd.s32 $0x0, s18  }
0x2e: {  	p1 =	por p2, p2;
	s20 =	simm.s32 $0x4;
	s21 =	sadd.s32 $0x40, s21;
	[tilespmem:s19+$0x1830 ss:$0x81] =	vst.msk $0xffff, v3  }
.LBB1_4:
0x2f: {  	v3 =	vld [tilespmem:s21+$0x10];
	p2 =	sne.s32 s20, $0x1FC;
	[tilespmem:s19+$0x810 ss:$0x81] =	vst.msk $0xffff, v1;
	s22 =	smov.u32 s20;
	s20 =	sadd.s32 $0x4, s20  }
.Ltmp3:
0x30: {  	v1 =	vld [tilespmem:s21+$0xFFFFFFF0];
	[tilespmem:s19+$0x1020 ss:$0x81] =	vst.msk $0xffff, v0;
	(pc) =	sbr.rel @p2 .LBB1_4-.Ltmp3, $4  }
0x31: {  	v0 =	vld [tilespmem:s21+$0x0];
	[tilespmem:s19+$0x0 ss:$0x81] =	vst.msk $0xffff, v2  }
0x32: {  	s19 =	sshra.s32 s22, $0x2;
	v2 =	vld [tilespmem:s21+$0xFFFFFFE0]  }
0x33: {  	s19 =	sadd.s32 s19, s18  }
0x34: {  	s21 =	sadd.s32 $0x40, s21;
	[tilespmem:s19+$0x1830 ss:$0x81] =	vst.msk $0xffff, v3  }
.Ltmp4:
0x35: {  	(pc) =	sbr.rel @p1 .LBB1_3-.Ltmp4, $4  }
0x36: {  	_ = 	snop  }
0x37: {  	[tilespmem:s19+$0x810 ss:$0x81] =	vst.msk $0xffff, v1  }
0x38: {  	[tilespmem:s19+$0x1020 ss:$0x81] =	vst.msk $0xffff, v0  }
0x39: {  	s18 =	simm.s32 $0x1;
	p2 =	por $0x0, $0x0;
	[tilespmem:s19+$0x0 ss:$0x81] =	vst.msk $0xffff, v2  }
.Ltmp5:
0x3a: {  	(pc) =	sbr.rel .LBB1_7-.Ltmp5, $4  }
0x3b: {  	s14 =	sshll.u32 s14, $0xF  }
0x3c: {  	s14 =	sadd.s32 s3, s14  }
0x3d: {  	s13 =	sadd.s32 s13, s14  }
0x3e: {  	[hbm4b:s13+s9] =	stream.strided.scatter [tilespmem:s15], [sflag:$0x2], $0x4000, s10, s9, $0x20;
	[tilespmem:$0x10100] =	vst v63  }
.LBB1_8:
0x3f: {  	_ =	sfence.sel $0x180000  }
0x40: {  	s2 =	simm.s32 $0x1;
	[bflag:$0x0] =	sbarrier.arrive $0xFFFF  }
0x41: {  	s31 =	simm.s32 $0x2;
	[sflag:s2] =	ssyncpa.u1 $0x1  }
0x42: {  	[sflag:s31] =	ssyncpa.u1 $0x1  }
0x43: {  	p0 =	sne.s32 s0, $0x0;
	_ =	strace $0x9000004A  }
0x44: {  	s0 =	sadd.s32 @!p0 $0x100000, s1;
	[bflag:$0x2] =	sbarrier.arrive $0xFFFF  }
0x45: {  	[sflag:s0] =	ssyncadd.tile.s32 @!p0 $0x1;
	_ =	shalt  }
.Lfunc_end1:
_tile_overlayer_lowered:
.L_overlay_start_2:
0x46: {  	(tag) =	ssettag $0x2  }
0x47: {  	s0 =	rddreg [dreg:$0x0];
	s2 =	stileid.u32  }
0x48: {  	s1 =	rddreg [dreg:$0x1];
	p0 =	sne.s32 s2, $0x0  }
0x49: {  	s3 =	rddreg [dreg:$0x2];
	[bflag:$0x3] =	sbarrier.arrive $0xFFFF;
	s2 =	simm.s32 @!p0 $0x1C01  }
0x4a: {  	[timem:s3], [sflag:s2] =	dma.local @!p0 [hbm:s0], s1  }
0x4b: {  	s0 =	simm.s32 @!p0 $0x1  }
0x4c: {  	_ =	swait.ge @!p0 [sflag:s0], s1  }
0x4d: {  	s1 =	ssub.s32 @!p0 $0x0, s1;
	[sflag:s0] =	ssyncset.done @!p0 $0x0  }
0x4e: {  	[sflag:s0] =	ssyncadd.s32 @!p0 s1  }
0x4f: {  	[bflag:$0x3] =	sbarrier.arrive $0xFFFF  }
0x50: {  	_ =	shalt  }

</sc_bundles>
